<compile_context>
chip_gen: v7x
topology: tpu7x:2x2x1
jax: 0.10.2.dev20260603
libtpu: 0.0.44.dev20260713+nightly
codegen_flags: <defaults>
</compile_context>

<pallas_src>
import jax
import jax.numpy as jnp
from jax import lax
from jax.experimental import pallas as pl
from jax.experimental.pallas import tpu as pltpu
from jax.experimental.pallas import tpu_sc as plsc

N_NODES = 10000
N_EDGES = 320000
D = 128

NC = 2
NS = 16

E_PER_W = N_EDGES // NS
CHUNK = 80
N_CHUNKS = E_PER_W // CHUNK
SLOTS = 4
LOOKI = 8
RD = 2
STAGE_ROWS = 624
STAGE_TAIL = N_NODES - NS * STAGE_ROWS


def _sc_gather(m_hbm, root_hbm, idx_hbm, out_m, out_root,
               bufs, idxv, tab, sem_i, sem_g, sem_w):
    cid = lax.axis_index("c")
    sid = lax.axis_index("s")
    base = sid * E_PER_W

    stripe = pl.ds(pl.multiple_of(sid * STAGE_ROWS, 8), STAGE_ROWS)
    tail = pl.ds(NS * STAGE_ROWS, STAGE_TAIL)

    @pl.when(cid == 0)
    def _stage_m():
        pltpu.sync_copy(m_hbm.at[stripe], tab.at[stripe])

        @pl.when(sid == 0)
        def _tail():
            pltpu.sync_copy(m_hbm.at[tail], tab.at[tail])

    @pl.when(cid == 1)
    def _stage_root():
        pltpu.sync_copy(root_hbm.at[stripe], tab.at[stripe])

        @pl.when(sid == 0)
        def _tail():
            pltpu.sync_copy(root_hbm.at[tail], tab.at[tail])

    plsc.subcore_barrier()

    def run_pipe(out):
        for p in range(LOOKI):
            pltpu.make_async_copy(idx_hbm.at[sid, p], idxv.at[p],
                                  sem_i).start()

        def body(k, carry):
            slot = lax.rem(k, SLOTS)
            islot = lax.rem(k, LOOKI)

            @pl.when(k >= SLOTS)
            def _reclaim():
                pltpu.make_async_copy(
                    bufs.at[slot],
                    out.at[pl.ds(base + (k - SLOTS) * CHUNK, CHUNK)],
                    sem_w).wait()

            pltpu.make_async_copy(idx_hbm.at[sid, k], idxv.at[islot],
                                  sem_i).wait()
            pltpu.make_async_copy(tab.at[idxv.at[islot]],
                                  bufs.at[slot], sem_g).start()

            @pl.when(k >= RD)
            def _emit_prev():
                pslot = lax.rem(k - RD, SLOTS)
                pislot = lax.rem(k - RD, LOOKI)
                pltpu.make_async_copy(tab.at[idxv.at[pislot]],
                                      bufs.at[pslot], sem_g).wait()

                @pl.when(k - RD + LOOKI < N_CHUNKS)
                def _prefetch():
                    pltpu.make_async_copy(idx_hbm.at[sid, k - RD + LOOKI],
                                          idxv.at[pislot], sem_i).start()

                pltpu.make_async_copy(
                    bufs.at[pslot],
                    out.at[pl.ds(base + (k - RD) * CHUNK, CHUNK)],
                    sem_w).start()
            return carry

        lax.fori_loop(0, N_CHUNKS, body, 0)

        for last in range(N_CHUNKS - RD, N_CHUNKS):
            pltpu.make_async_copy(tab.at[idxv.at[last % LOOKI]],
                                  bufs.at[last % SLOTS], sem_g).wait()
            pltpu.make_async_copy(
                bufs.at[last % SLOTS],
                out.at[pl.ds(base + last * CHUNK, CHUNK)],
                sem_w).start()

        for j in range(SLOTS):
            k = N_CHUNKS - SLOTS + j
            pltpu.make_async_copy(
                bufs.at[k % SLOTS],
                out.at[pl.ds(base + k * CHUNK, CHUNK)],
                sem_w).wait()

    @pl.when(cid == 0)
    def _produce_m():
        run_pipe(out_m)

    @pl.when(cid == 1)
    def _produce_root():
        run_pipe(out_root)


@jax.jit
def kernel(m, root, edge_index):
    src = edge_index[0].astype(jnp.int32).reshape(NS, N_CHUNKS, CHUNK)
    mesh = plsc.VectorSubcoreMesh(core_axis_name="c", subcore_axis_name="s")
    out_ty = (jax.ShapeDtypeStruct((N_EDGES, D), jnp.float32),
              jax.ShapeDtypeStruct((N_EDGES, D), jnp.float32))
    f = pl.kernel(
        _sc_gather,
        mesh=mesh,
        out_type=out_ty,
        scratch_types=[
            pltpu.VMEM((SLOTS, CHUNK, D), jnp.float32),
            pltpu.VMEM((LOOKI, CHUNK), jnp.int32),
            pltpu.VMEM_SHARED((N_NODES, D), jnp.float32),
            pltpu.SemaphoreType.DMA,
            pltpu.SemaphoreType.DMA,
            pltpu.SemaphoreType.DMA,
        ],
    )
    return f(m, root, src)

# --- scband reference (transcript-rebuilt; emitter-appended) ---
"""Pipeline reference for scband-msg-layer-5944234737767 (READ-ONLY COPY).

The authoritative reference and input builder live on the scoring server;
editing this copy changes nothing except your own understanding.
"""

import jax, jax.numpy as jnp
import numpy as np

N_NODES = 10000
N_EDGES = 320000
D = 128


def setup_inputs(seed: int = 0) -> dict:
    key = jax.random.key(seed)
    k1, k2, k3 = jax.random.split(key, 3)
    m = jax.random.normal(k1, (N_NODES, D), dtype=jnp.float32)
    root = jax.random.normal(k2, (N_NODES, D), dtype=jnp.float32)
    edge_index = jax.random.randint(k3, (2, N_EDGES), 0, N_NODES)
    return {"m": m, "root": root, "edge_index": edge_index}


def reference(m, root, edge_index):
    # Faithful translation of MsgLayer.forward: the active code path only
    # gathers source-node features 'm' and 'root' per edge (the gated message
    # computation with W_r/U_r is commented out in the original module).
    src = edge_index[0]
    msg_m = jnp.take(m, src, axis=0)
    msg_root = jnp.take(root, src, axis=0)
    return (msg_m, msg_root)

if __name__ == "__main__":
    import jax
    _d = setup_inputs()
    print(jax.jit(kernel)(*tuple(_d.values())))

</pallas_src>

<mosaic_0001>
#map = affine_map<(d0, d1) -> (0, 0)>
#map1 = affine_map<(d0, d1) -> (0, 0, 0)>
module attributes {stable_mosaic.version = 14 : i64} {
  func.func @_sc_gather(%arg0: i32, %arg1: i32, %arg2: memref<10000x128xf32, #tpu.memory_space<hbm>>, %arg3: memref<10000x128xf32, #tpu.memory_space<hbm>>, %arg4: memref<16x250x80xi32, #tpu.memory_space<hbm>>, %arg5: memref<320000x128xf32, #tpu.memory_space<hbm>>, %arg6: memref<320000x128xf32, #tpu.memory_space<hbm>>, %arg7: memref<4x80x128xf32, #tpu.memory_space<vmem>>, %arg8: memref<8x80xi32, #tpu.memory_space<vmem>>, %arg9: memref<10000x128xf32, #tpu.memory_space<vmem_shared>>, %arg10: memref<!tpu.dma_semaphore, #tpu.memory_space<semaphore_mem>>, %arg11: memref<!tpu.dma_semaphore, #tpu.memory_space<semaphore_mem>>, %arg12: memref<!tpu.dma_semaphore, #tpu.memory_space<semaphore_mem>>) attributes {dimension_semantics = [#tpu.dimension_semantics<core_parallel>, #tpu.dimension_semantics<subcore_parallel>], iteration_bounds = array<i64: 2, 16>, scalar_prefetch = 0 : i64, scratch_operands = 6 : i64, tpu.core_type = #tpu.core_type<sc_vector_subcore>, window_params = [{transform_indices = #map}, {transform_indices = #map}, {transform_indices = #map1}, {transform_indices = #map}, {transform_indices = #map}]} {
    %mul3A = arith.constant 20000 : i32
    %mul3A_0 = arith.muli %arg1, %mul3A : i32
    %mul3A_1 = arith.constant 624 : i32
    %mul3A_2 = arith.muli %arg1, %mul3A_1 : i32
    %multiple_of3A = tpu.assume_multiple %mul3A_2, 8 : i32
    %eq3A = arith.constant 0 : i32
    %eq3A_3 = arith.cmpi eq, %arg0, %eq3A : i32
    %convert_element_type3A = arith.extui %eq3A_3 : i1 to i32
    %cond3A = arith.constant 0 : i32
    %cond3A_4 = arith.cmpi ne, %convert_element_type3A, %cond3A : i32
    scf.if %cond3A_4 {
      "tpu.region"() ({
        %run_scoped3A = tpu.sem_alloc : memref<!tpu.dma_semaphore, #tpu.memory_space<semaphore_mem>>
        %dma_start3A = arith.constant 0 : i32
        %dma_start3A_25 = tpu.memref_slice %arg9[%multiple_of3A, %dma_start3A] : memref<10000x128xf32, #tpu.memory_space<vmem_shared>> -> memref<624x128xf32, #tpu.memory_space<vmem_shared>>
        %dma_start3A_26 = arith.constant 0 : i32
        %dma_start3A_27 = tpu.memref_slice %arg2[%multiple_of3A, %dma_start3A_26] : memref<10000x128xf32, #tpu.memory_space<hbm>> -> memref<624x128xf32, #tpu.memory_space<hbm>>
        tpu.enqueue_dma source(%dma_start3A_27 : memref<624x128xf32, #tpu.memory_space<hbm>>) target(%dma_start3A_25 : memref<624x128xf32, #tpu.memory_space<vmem_shared>>) target_semaphore(%run_scoped3A : memref<!tpu.dma_semaphore, #tpu.memory_space<semaphore_mem>>)
        %dma_wait3A = arith.constant 0 : i32
        %dma_wait3A_28 = tpu.memref_slice %arg9[%multiple_of3A, %dma_wait3A] : memref<10000x128xf32, #tpu.memory_space<vmem_shared>> -> memref<624x128xf32, #tpu.memory_space<vmem_shared>>
        %dma_wait3A_29 = arith.constant 0 : i32
        %dma_wait3A_30 = tpu.memref_slice %arg2[%multiple_of3A, %dma_wait3A_29] : memref<10000x128xf32, #tpu.memory_space<hbm>> -> memref<624x128xf32, #tpu.memory_space<hbm>>
        tpu.wait_dma2 semaphore(%run_scoped3A : memref<!tpu.dma_semaphore, #tpu.memory_space<semaphore_mem>>) src(%dma_wait3A_30 : memref<624x128xf32, #tpu.memory_space<hbm>>) dst(%dma_wait3A_28 : memref<624x128xf32, #tpu.memory_space<vmem_shared>>)
        tpu.yield
      }) : () -> ()
      %eq3A_20 = arith.constant 0 : i32
      %eq3A_21 = arith.cmpi eq, %arg1, %eq3A_20 : i32
      %convert_element_type3A_22 = arith.extui %eq3A_21 : i1 to i32
      %cond3A_23 = arith.constant 0 : i32
      %cond3A_24 = arith.cmpi ne, %convert_element_type3A_22, %cond3A_23 : i32
      scf.if %cond3A_24 {
        "tpu.region"() ({
          %run_scoped3A = tpu.sem_alloc : memref<!tpu.dma_semaphore, #tpu.memory_space<semaphore_mem>>
          %dma_start3A = arith.constant 9984 : i32
          %dma_start3A_25 = arith.constant 0 : i32
          %dma_start3A_26 = tpu.memref_slice %arg9[%dma_start3A, %dma_start3A_25] : memref<10000x128xf32, #tpu.memory_space<vmem_shared>> -> memref<16x128xf32, #tpu.memory_space<vmem_shared>>
          %dma_start3A_27 = arith.constant 9984 : i32
          %dma_start3A_28 = arith.constant 0 : i32
          %dma_start3A_29 = tpu.memref_slice %arg2[%dma_start3A_27, %dma_start3A_28] : memref<10000x128xf32, #tpu.memory_space<hbm>> -> memref<16x128xf32, #tpu.memory_space<hbm>>
          tpu.enqueue_dma source(%dma_start3A_29 : memref<16x128xf32, #tpu.memory_space<hbm>>) target(%dma_start3A_26 : memref<16x128xf32, #tpu.memory_space<vmem_shared>>) target_semaphore(%run_scoped3A : memref<!tpu.dma_semaphore, #tpu.memory_space<semaphore_mem>>)
          %dma_wait3A = arith.constant 9984 : i32
          %dma_wait3A_30 = arith.constant 0 : i32
          %dma_wait3A_31 = tpu.memref_slice %arg9[%dma_wait3A, %dma_wait3A_30] : memref<10000x128xf32, #tpu.memory_space<vmem_shared>> -> memref<16x128xf32, #tpu.memory_space<vmem_shared>>
          %dma_wait3A_32 = arith.constant 9984 : i32
          %dma_wait3A_33 = arith.constant 0 : i32
          %dma_wait3A_34 = tpu.memref_slice %arg2[%dma_wait3A_32, %dma_wait3A_33] : memref<10000x128xf32, #tpu.memory_space<hbm>> -> memref<16x128xf32, #tpu.memory_space<hbm>>
          tpu.wait_dma2 semaphore(%run_scoped3A : memref<!tpu.dma_semaphore, #tpu.memory_space<semaphore_mem>>) src(%dma_wait3A_34 : memref<16x128xf32, #tpu.memory_space<hbm>>) dst(%dma_wait3A_31 : memref<16x128xf32, #tpu.memory_space<vmem_shared>>)
          tpu.yield
        }) : () -> ()
      } else {
      }
    } else {
    }
    %eq3A_5 = arith.constant 1 : i32
    %eq3A_6 = arith.cmpi eq, %arg0, %eq3A_5 : i32
    %convert_element_type3A_7 = arith.extui %eq3A_6 : i1 to i32
    %cond3A_8 = arith.constant 0 : i32
    %cond3A_9 = arith.cmpi ne, %convert_element_type3A_7, %cond3A_8 : i32
    scf.if %cond3A_9 {
      "tpu.region"() ({
        %run_scoped3A = tpu.sem_alloc : memref<!tpu.dma_semaphore, #tpu.memory_space<semaphore_mem>>
        %dma_start3A = arith.constant 0 : i32
        %dma_start3A_25 = tpu.memref_slice %arg9[%multiple_of3A, %dma_start3A] : memref<10000x128xf32, #tpu.memory_space<vmem_shared>> -> memref<624x128xf32, #tpu.memory_space<vmem_shared>>
        %dma_start3A_26 = arith.constant 0 : i32
        %dma_start3A_27 = tpu.memref_slice %arg3[%multiple_of3A, %dma_start3A_26] : memref<10000x128xf32, #tpu.memory_space<hbm>> -> memref<624x128xf32, #tpu.memory_space<hbm>>
        tpu.enqueue_dma source(%dma_start3A_27 : memref<624x128xf32, #tpu.memory_space<hbm>>) target(%dma_start3A_25 : memref<624x128xf32, #tpu.memory_space<vmem_shared>>) target_semaphore(%run_scoped3A : memref<!tpu.dma_semaphore, #tpu.memory_space<semaphore_mem>>)
        %dma_wait3A = arith.constant 0 : i32
        %dma_wait3A_28 = tpu.memref_slice %arg9[%multiple_of3A, %dma_wait3A] : memref<10000x128xf32, #tpu.memory_space<vmem_shared>> -> memref<624x128xf32, #tpu.memory_space<vmem_shared>>
        %dma_wait3A_29 = arith.constant 0 : i32
        %dma_wait3A_30 = tpu.memref_slice %arg3[%multiple_of3A, %dma_wait3A_29] : memref<10000x128xf32, #tpu.memory_space<hbm>> -> memref<624x128xf32, #tpu.memory_space<hbm>>
        tpu.wait_dma2 semaphore(%run_scoped3A : memref<!tpu.dma_semaphore, #tpu.memory_space<semaphore_mem>>) src(%dma_wait3A_30 : memref<624x128xf32, #tpu.memory_space<hbm>>) dst(%dma_wait3A_28 : memref<624x128xf32, #tpu.memory_space<vmem_shared>>)
        tpu.yield
      }) : () -> ()
      %eq3A_20 = arith.constant 0 : i32
      %eq3A_21 = arith.cmpi eq, %arg1, %eq3A_20 : i32
      %convert_element_type3A_22 = arith.extui %eq3A_21 : i1 to i32
      %cond3A_23 = arith.constant 0 : i32
      %cond3A_24 = arith.cmpi ne, %convert_element_type3A_22, %cond3A_23 : i32
      scf.if %cond3A_24 {
        "tpu.region"() ({
          %run_scoped3A = tpu.sem_alloc : memref<!tpu.dma_semaphore, #tpu.memory_space<semaphore_mem>>
          %dma_start3A = arith.constant 9984 : i32
          %dma_start3A_25 = arith.constant 0 : i32
          %dma_start3A_26 = tpu.memref_slice %arg9[%dma_start3A, %dma_start3A_25] : memref<10000x128xf32, #tpu.memory_space<vmem_shared>> -> memref<16x128xf32, #tpu.memory_space<vmem_shared>>
          %dma_start3A_27 = arith.constant 9984 : i32
          %dma_start3A_28 = arith.constant 0 : i32
          %dma_start3A_29 = tpu.memref_slice %arg3[%dma_start3A_27, %dma_start3A_28] : memref<10000x128xf32, #tpu.memory_space<hbm>> -> memref<16x128xf32, #tpu.memory_space<hbm>>
          tpu.enqueue_dma source(%dma_start3A_29 : memref<16x128xf32, #tpu.memory_space<hbm>>) target(%dma_start3A_26 : memref<16x128xf32, #tpu.memory_space<vmem_shared>>) target_semaphore(%run_scoped3A : memref<!tpu.dma_semaphore, #tpu.memory_space<semaphore_mem>>)
          %dma_wait3A = arith.constant 9984 : i32
          %dma_wait3A_30 = arith.constant 0 : i32
          %dma_wait3A_31 = tpu.memref_slice %arg9[%dma_wait3A, %dma_wait3A_30] : memref<10000x128xf32, #tpu.memory_space<vmem_shared>> -> memref<16x128xf32, #tpu.memory_space<vmem_shared>>
          %dma_wait3A_32 = arith.constant 9984 : i32
          %dma_wait3A_33 = arith.constant 0 : i32
          %dma_wait3A_34 = tpu.memref_slice %arg3[%dma_wait3A_32, %dma_wait3A_33] : memref<10000x128xf32, #tpu.memory_space<hbm>> -> memref<16x128xf32, #tpu.memory_space<hbm>>
          tpu.wait_dma2 semaphore(%run_scoped3A : memref<!tpu.dma_semaphore, #tpu.memory_space<semaphore_mem>>) src(%dma_wait3A_34 : memref<16x128xf32, #tpu.memory_space<hbm>>) dst(%dma_wait3A_31 : memref<16x128xf32, #tpu.memory_space<vmem_shared>>)
          tpu.yield
        }) : () -> ()
      } else {
      }
    } else {
    }
    %barrier3A = arith.constant 0 : index
    tpu.barrier barrier_id(%barrier3A)
    %eq3A_10 = arith.constant 0 : i32
    %eq3A_11 = arith.cmpi eq, %arg0, %eq3A_10 : i32
    %convert_element_type3A_12 = arith.extui %eq3A_11 : i1 to i32
    %cond3A_13 = arith.constant 0 : i32
    %cond3A_14 = arith.cmpi ne, %convert_element_type3A_12, %cond3A_13 : i32
    scf.if %cond3A_14 {
      %dma_start3A = arith.constant 0 : i32
      %dma_start3A_20 = arith.constant 0 : i32
      %dma_start3A_21 = arith.constant 0 : i32
      %dma_start3A_22 = tpu.memref_slice %arg8[%dma_start3A_20, %dma_start3A_21] : memref<8x80xi32, #tpu.memory_space<vmem>> -> memref<1x80xi32, #tpu.memory_space<vmem>>
      %dma_start3A_23 = tpu.memref_squeeze %dma_start3A_22 : memref<1x80xi32, #tpu.memory_space<vmem>> -> memref<80xi32, #tpu.memory_space<vmem>>
      %dma_start3A_24 = arith.constant 0 : i32
      %dma_start3A_25 = tpu.memref_slice %arg4[%arg1, %dma_start3A, %dma_start3A_24] : memref<16x250x80xi32, #tpu.memory_space<hbm>> -> memref<1x1x80xi32, #tpu.memory_space<hbm>>
      %dma_start3A_26 = tpu.memref_squeeze %dma_start3A_25 : memref<1x1x80xi32, #tpu.memory_space<hbm>> -> memref<80xi32, #tpu.memory_space<hbm>>
      %dma_start3A_27 = arith.constant 0 : i32
      %dma_start3A_28 = tpu.memref_slice %arg8[%dma_start3A_20, %dma_start3A_27] : memref<8x80xi32, #tpu.memory_space<vmem>> -> memref<1x80xi32, #tpu.memory_space<vmem>>
      %dma_start3A_29 = tpu.memref_squeeze %dma_start3A_28 : memref<1x80xi32, #tpu.memory_space<vmem>> -> memref<80xi32, #tpu.memory_space<vmem>>
      %dma_start3A_30 = arith.constant 0 : i32
      %dma_start3A_31 = tpu.memref_slice %arg4[%arg1, %dma_start3A, %dma_start3A_30] : memref<16x250x80xi32, #tpu.memory_space<hbm>> -> memref<1x1x80xi32, #tpu.memory_space<hbm>>
      %dma_start3A_32 = tpu.memref_squeeze %dma_start3A_31 : memref<1x1x80xi32, #tpu.memory_space<hbm>> -> memref<80xi32, #tpu.memory_space<hbm>>
      tpu.enqueue_dma source(%dma_start3A_32 : memref<80xi32, #tpu.memory_space<hbm>>) target(%dma_start3A_29 : memref<80xi32, #tpu.memory_space<vmem>>) target_semaphore(%arg10 : memref<!tpu.dma_semaphore, #tpu.memory_space<semaphore_mem>>)
      %dma_start3A_33 = arith.constant 1 : i32
      %dma_start3A_34 = arith.constant 1 : i32
      %dma_start3A_35 = arith.constant 0 : i32
      %dma_start3A_36 = tpu.memref_slice %arg8[%dma_start3A_34, %dma_start3A_35] : memref<8x80xi32, #tpu.memory_space<vmem>> -> memref<1x80xi32, #tpu.memory_space<vmem>>
      %dma_start3A_37 = tpu.memref_squeeze %dma_start3A_36 : memref<1x80xi32, #tpu.memory_space<vmem>> -> memref<80xi32, #tpu.memory_space<vmem>>
      %dma_start3A_38 = arith.constant 0 : i32
      %dma_start3A_39 = tpu.memref_slice %arg4[%arg1, %dma_start3A_33, %dma_start3A_38] : memref<16x250x80xi32, #tpu.memory_space<hbm>> -> memref<1x1x80xi32, #tpu.memory_space<hbm>>
      %dma_start3A_40 = tpu.memref_squeeze %dma_start3A_39 : memref<1x1x80xi32, #tpu.memory_space<hbm>> -> memref<80xi32, #tpu.memory_space<hbm>>
      %dma_start3A_41 = arith.constant 0 : i32
      %dma_start3A_42 = tpu.memref_slice %arg8[%dma_start3A_34, %dma_start3A_41] : memref<8x80xi32, #tpu.memory_space<vmem>> -> memref<1x80xi32, #tpu.memory_space<vmem>>
      %dma_start3A_43 = tpu.memref_squeeze %dma_start3A_42 : memref<1x80xi32, #tpu.memory_space<vmem>> -> memref<80xi32, #tpu.memory_space<vmem>>
      %dma_start3A_44 = arith.constant 0 : i32
      %dma_start3A_45 = tpu.memref_slice %arg4[%arg1, %dma_start3A_33, %dma_start3A_44] : memref<16x250x80xi32, #tpu.memory_space<hbm>> -> memref<1x1x80xi32, #tpu.memory_space<hbm>>
      %dma_start3A_46 = tpu.memref_squeeze %dma_start3A_45 : memref<1x1x80xi32, #tpu.memory_space<hbm>> -> memref<80xi32, #tpu.memory_space<hbm>>
      tpu.enqueue_dma source(%dma_start3A_46 : memref<80xi32, #tpu.memory_space<hbm>>) target(%dma_start3A_43 : memref<80xi32, #tpu.memory_space<vmem>>) target_semaphore(%arg10 : memref<!tpu.dma_semaphore, #tpu.memory_space<semaphore_mem>>)
      %dma_start3A_47 = arith.constant 2 : i32
      %dma_start3A_48 = arith.constant 2 : i32
      %dma_start3A_49 = arith.constant 0 : i32
      %dma_start3A_50 = tpu.memref_slice %arg8[%dma_start3A_48, %dma_start3A_49] : memref<8x80xi32, #tpu.memory_space<vmem>> -> memref<1x80xi32, #tpu.memory_space<vmem>>
      %dma_start3A_51 = tpu.memref_squeeze %dma_start3A_50 : memref<1x80xi32, #tpu.memory_space<vmem>> -> memref<80xi32, #tpu.memory_space<vmem>>
      %dma_start3A_52 = arith.constant 0 : i32
      %dma_start3A_53 = tpu.memref_slice %arg4[%arg1, %dma_start3A_47, %dma_start3A_52] : memref<16x250x80xi32, #tpu.memory_space<hbm>> -> memref<1x1x80xi32, #tpu.memory_space<hbm>>
      %dma_start3A_54 = tpu.memref_squeeze %dma_start3A_53 : memref<1x1x80xi32, #tpu.memory_space<hbm>> -> memref<80xi32, #tpu.memory_space<hbm>>
      %dma_start3A_55 = arith.constant 0 : i32
      %dma_start3A_56 = tpu.memref_slice %arg8[%dma_start3A_48, %dma_start3A_55] : memref<8x80xi32, #tpu.memory_space<vmem>> -> memref<1x80xi32, #tpu.memory_space<vmem>>
      %dma_start3A_57 = tpu.memref_squeeze %dma_start3A_56 : memref<1x80xi32, #tpu.memory_space<vmem>> -> memref<80xi32, #tpu.memory_space<vmem>>
      %dma_start3A_58 = arith.constant 0 : i32
      %dma_start3A_59 = tpu.memref_slice %arg4[%arg1, %dma_start3A_47, %dma_start3A_58] : memref<16x250x80xi32, #tpu.memory_space<hbm>> -> memref<1x1x80xi32, #tpu.memory_space<hbm>>
      %dma_start3A_60 = tpu.memref_squeeze %dma_start3A_59 : memref<1x1x80xi32, #tpu.memory_space<hbm>> -> memref<80xi32, #tpu.memory_space<hbm>>
      tpu.enqueue_dma source(%dma_start3A_60 : memref<80xi32, #tpu.memory_space<hbm>>) target(%dma_start3A_57 : memref<80xi32, #tpu.memory_space<vmem>>) target_semaphore(%arg10 : memref<!tpu.dma_semaphore, #tpu.memory_space<semaphore_mem>>)
      %dma_start3A_61 = arith.constant 3 : i32
      %dma_start3A_62 = arith.constant 3 : i32
      %dma_start3A_63 = arith.constant 0 : i32
      %dma_start3A_64 = tpu.memref_slice %arg8[%dma_start3A_62, %dma_start3A_63] : memref<8x80xi32, #tpu.memory_space<vmem>> -> memref<1x80xi32, #tpu.memory_space<vmem>>
      %dma_start3A_65 = tpu.memref_squeeze %dma_start3A_64 : memref<1x80xi32, #tpu.memory_space<vmem>> -> memref<80xi32, #tpu.memory_space<vmem>>
      %dma_start3A_66 = arith.constant 0 : i32
      %dma_start3A_67 = tpu.memref_slice %arg4[%arg1, %dma_start3A_61, %dma_start3A_66] : memref<16x250x80xi32, #tpu.memory_space<hbm>> -> memref<1x1x80xi32, #tpu.memory_space<hbm>>
      %dma_start3A_68 = tpu.memref_squeeze %dma_start3A_67 : memref<1x1x80xi32, #tpu.memory_space<hbm>> -> memref<80xi32, #tpu.memory_space<hbm>>
      %dma_start3A_69 = arith.constant 0 : i32
      %dma_start3A_70 = tpu.memref_slice %arg8[%dma_start3A_62, %dma_start3A_69] : memref<8x80xi32, #tpu.memory_space<vmem>> -> memref<1x80xi32, #tpu.memory_space<vmem>>
      %dma_start3A_71 = tpu.memref_squeeze %dma_start3A_70 : memref<1x80xi32, #tpu.memory_space<vmem>> -> memref<80xi32, #tpu.memory_space<vmem>>
      %dma_start3A_72 = arith.constant 0 : i32
      %dma_start3A_73 = tpu.memref_slice %arg4[%arg1, %dma_start3A_61, %dma_start3A_72] : memref<16x250x80xi32, #tpu.memory_space<hbm>> -> memref<1x1x80xi32, #tpu.memory_space<hbm>>
      %dma_start3A_74 = tpu.memref_squeeze %dma_start3A_73 : memref<1x1x80xi32, #tpu.memory_space<hbm>> -> memref<80xi32, #tpu.memory_space<hbm>>
      tpu.enqueue_dma source(%dma_start3A_74 : memref<80xi32, #tpu.memory_space<hbm>>) target(%dma_start3A_71 : memref<80xi32, #tpu.memory_space<vmem>>) target_semaphore(%arg10 : memref<!tpu.dma_semaphore, #tpu.memory_space<semaphore_mem>>)
      %dma_start3A_75 = arith.constant 4 : i32
      %dma_start3A_76 = arith.constant 4 : i32
      %dma_start3A_77 = arith.constant 0 : i32
      %dma_start3A_78 = tpu.memref_slice %arg8[%dma_start3A_76, %dma_start3A_77] : memref<8x80xi32, #tpu.memory_space<vmem>> -> memref<1x80xi32, #tpu.memory_space<vmem>>
      %dma_start3A_79 = tpu.memref_squeeze %dma_start3A_78 : memref<1x80xi32, #tpu.memory_space<vmem>> -> memref<80xi32, #tpu.memory_space<vmem>>
      %dma_start3A_80 = arith.constant 0 : i32
      %dma_start3A_81 = tpu.memref_slice %arg4[%arg1, %dma_start3A_75, %dma_start3A_80] : memref<16x250x80xi32, #tpu.memory_space<hbm>> -> memref<1x1x80xi32, #tpu.memory_space<hbm>>
      %dma_start3A_82 = tpu.memref_squeeze %dma_start3A_81 : memref<1x1x80xi32, #tpu.memory_space<hbm>> -> memref<80xi32, #tpu.memory_space<hbm>>
      %dma_start3A_83 = arith.constant 0 : i32
      %dma_start3A_84 = tpu.memref_slice %arg8[%dma_start3A_76, %dma_start3A_83] : memref<8x80xi32, #tpu.memory_space<vmem>> -> memref<1x80xi32, #tpu.memory_space<vmem>>
      %dma_start3A_85 = tpu.memref_squeeze %dma_start3A_84 : memref<1x80xi32, #tpu.memory_space<vmem>> -> memref<80xi32, #tpu.memory_space<vmem>>
      %dma_start3A_86 = arith.constant 0 : i32
      %dma_start3A_87 = tpu.memref_slice %arg4[%arg1, %dma_start3A_75, %dma_start3A_86] : memref<16x250x80xi32, #tpu.memory_space<hbm>> -> memref<1x1x80xi32, #tpu.memory_space<hbm>>
      %dma_start3A_88 = tpu.memref_squeeze %dma_start3A_87 : memref<1x1x80xi32, #tpu.memory_space<hbm>> -> memref<80xi32, #tpu.memory_space<hbm>>
      tpu.enqueue_dma source(%dma_start3A_88 : memref<80xi32, #tpu.memory_space<hbm>>) target(%dma_start3A_85 : memref<80xi32, #tpu.memory_space<vmem>>) target_semaphore(%arg10 : memref<!tpu.dma_semaphore, #tpu.memory_space<semaphore_mem>>)
      %dma_start3A_89 = arith.constant 5 : i32
      %dma_start3A_90 = arith.constant 5 : i32
      %dma_start3A_91 = arith.constant 0 : i32
      %dma_start3A_92 = tpu.memref_slice %arg8[%dma_start3A_90, %dma_start3A_91] : memref<8x80xi32, #tpu.memory_space<vmem>> -> memref<1x80xi32, #tpu.memory_space<vmem>>
      %dma_start3A_93 = tpu.memref_squeeze %dma_start3A_92 : memref<1x80xi32, #tpu.memory_space<vmem>> -> memref<80xi32, #tpu.memory_space<vmem>>
      %dma_start3A_94 = arith.constant 0 : i32
      %dma_start3A_95 = tpu.memref_slice %arg4[%arg1, %dma_start3A_89, %dma_start3A_94] : memref<16x250x80xi32, #tpu.memory_space<hbm>> -> memref<1x1x80xi32, #tpu.memory_space<hbm>>
      %dma_start3A_96 = tpu.memref_squeeze %dma_start3A_95 : memref<1x1x80xi32, #tpu.memory_space<hbm>> -> memref<80xi32, #tpu.memory_space<hbm>>
      %dma_start3A_97 = arith.constant 0 : i32
      %dma_start3A_98 = tpu.memref_slice %arg8[%dma_start3A_90, %dma_start3A_97] : memref<8x80xi32, #tpu.memory_space<vmem>> -> memref<1x80xi32, #tpu.memory_space<vmem>>
      %dma_start3A_99 = tpu.memref_squeeze %dma_start3A_98 : memref<1x80xi32, #tpu.memory_space<vmem>> -> memref<80xi32, #tpu.memory_space<vmem>>
      %dma_start3A_100 = arith.constant 0 : i32
      %dma_start3A_101 = tpu.memref_slice %arg4[%arg1, %dma_start3A_89, %dma_start3A_100] : memref<16x250x80xi32, #tpu.memory_space<hbm>> -> memref<1x1x80xi32, #tpu.memory_space<hbm>>
      %dma_start3A_102 = tpu.memref_squeeze %dma_start3A_101 : memref<1x1x80xi32, #tpu.memory_space<hbm>> -> memref<80xi32, #tpu.memory_space<hbm>>
      tpu.enqueue_dma source(%dma_start3A_102 : memref<80xi32, #tpu.memory_space<hbm>>) target(%dma_start3A_99 : memref<80xi32, #tpu.memory_space<vmem>>) target_semaphore(%arg10 : memref<!tpu.dma_semaphore, #tpu.memory_space<semaphore_mem>>)
      %dma_start3A_103 = arith.constant 6 : i32
      %dma_start3A_104 = arith.constant 6 : i32
      %dma_start3A_105 = arith.constant 0 : i32
      %dma_start3A_106 = tpu.memref_slice %arg8[%dma_start3A_104, %dma_start3A_105] : memref<8x80xi32, #tpu.memory_space<vmem>> -> memref<1x80xi32, #tpu.memory_space<vmem>>
      %dma_start3A_107 = tpu.memref_squeeze %dma_start3A_106 : memref<1x80xi32, #tpu.memory_space<vmem>> -> memref<80xi32, #tpu.memory_space<vmem>>
      %dma_start3A_108 = arith.constant 0 : i32
      %dma_start3A_109 = tpu.memref_slice %arg4[%arg1, %dma_start3A_103, %dma_start3A_108] : memref<16x250x80xi32, #tpu.memory_space<hbm>> -> memref<1x1x80xi32, #tpu.memory_space<hbm>>
      %dma_start3A_110 = tpu.memref_squeeze %dma_start3A_109 : memref<1x1x80xi32, #tpu.memory_space<hbm>> -> memref<80xi32, #tpu.memory_space<hbm>>
      %dma_start3A_111 = arith.constant 0 : i32
      %dma_start3A_112 = tpu.memref_slice %arg8[%dma_start3A_104, %dma_start3A_111] : memref<8x80xi32, #tpu.memory_space<vmem>> -> memref<1x80xi32, #tpu.memory_space<vmem>>
      %dma_start3A_113 = tpu.memref_squeeze %dma_start3A_112 : memref<1x80xi32, #tpu.memory_space<vmem>> -> memref<80xi32, #tpu.memory_space<vmem>>
      %dma_start3A_114 = arith.constant 0 : i32
      %dma_start3A_115 = tpu.memref_slice %arg4[%arg1, %dma_start3A_103, %dma_start3A_114] : memref<16x250x80xi32, #tpu.memory_space<hbm>> -> memref<1x1x80xi32, #tpu.memory_space<hbm>>
      %dma_start3A_116 = tpu.memref_squeeze %dma_start3A_115 : memref<1x1x80xi32, #tpu.memory_space<hbm>> -> memref<80xi32, #tpu.memory_space<hbm>>
      tpu.enqueue_dma source(%dma_start3A_116 : memref<80xi32, #tpu.memory_space<hbm>>) target(%dma_start3A_113 : memref<80xi32, #tpu.memory_space<vmem>>) target_semaphore(%arg10 : memref<!tpu.dma_semaphore, #tpu.memory_space<semaphore_mem>>)
      %dma_start3A_117 = arith.constant 7 : i32
      %dma_start3A_118 = arith.constant 7 : i32
      %dma_start3A_119 = arith.constant 0 : i32
      %dma_start3A_120 = tpu.memref_slice %arg8[%dma_start3A_118, %dma_start3A_119] : memref<8x80xi32, #tpu.memory_space<vmem>> -> memref<1x80xi32, #tpu.memory_space<vmem>>
      %dma_start3A_121 = tpu.memref_squeeze %dma_start3A_120 : memref<1x80xi32, #tpu.memory_space<vmem>> -> memref<80xi32, #tpu.memory_space<vmem>>
      %dma_start3A_122 = arith.constant 0 : i32
      %dma_start3A_123 = tpu.memref_slice %arg4[%arg1, %dma_start3A_117, %dma_start3A_122] : memref<16x250x80xi32, #tpu.memory_space<hbm>> -> memref<1x1x80xi32, #tpu.memory_space<hbm>>
      %dma_start3A_124 = tpu.memref_squeeze %dma_start3A_123 : memref<1x1x80xi32, #tpu.memory_space<hbm>> -> memref<80xi32, #tpu.memory_space<hbm>>
      %dma_start3A_125 = arith.constant 0 : i32
      %dma_start3A_126 = tpu.memref_slice %arg8[%dma_start3A_118, %dma_start3A_125] : memref<8x80xi32, #tpu.memory_space<vmem>> -> memref<1x80xi32, #tpu.memory_space<vmem>>
      %dma_start3A_127 = tpu.memref_squeeze %dma_start3A_126 : memref<1x80xi32, #tpu.memory_space<vmem>> -> memref<80xi32, #tpu.memory_space<vmem>>
      %dma_start3A_128 = arith.constant 0 : i32
      %dma_start3A_129 = tpu.memref_slice %arg4[%arg1, %dma_start3A_117, %dma_start3A_128] : memref<16x250x80xi32, #tpu.memory_space<hbm>> -> memref<1x1x80xi32, #tpu.memory_space<hbm>>
      %dma_start3A_130 = tpu.memref_squeeze %dma_start3A_129 : memref<1x1x80xi32, #tpu.memory_space<hbm>> -> memref<80xi32, #tpu.memory_space<hbm>>
      tpu.enqueue_dma source(%dma_start3A_130 : memref<80xi32, #tpu.memory_space<hbm>>) target(%dma_start3A_127 : memref<80xi32, #tpu.memory_space<vmem>>) target_semaphore(%arg10 : memref<!tpu.dma_semaphore, #tpu.memory_space<semaphore_mem>>)
      %scan3A = arith.constant 0 : i32
      %scan3A_131 = arith.constant 0 : i32
      %scan3A_132 = arith.constant 250 : i32
      %scan3A_133 = arith.addi %scan3A_131, %scan3A_132 : i32
      %scan3A_134 = arith.constant 1 : i32
      scf.for %scan3A_248 = %scan3A_131 to %scan3A_133 step %scan3A_134  : i32 {
        %rem3A = arith.constant 4 : i32
        %rem3A_249 = arith.remsi %scan3A_248, %rem3A : i32
        %rem3A_250 = arith.constant 8 : i32
        %rem3A_251 = arith.remsi %scan3A_248, %rem3A_250 : i32
        %ge3A = arith.constant 4 : i32
        %ge3A_252 = arith.cmpi sge, %scan3A_248, %ge3A : i32
        %convert_element_type3A_253 = arith.extui %ge3A_252 : i1 to i32
        %cond3A_254 = arith.constant 0 : i32
        %cond3A_255 = arith.cmpi ne, %convert_element_type3A_253, %cond3A_254 : i32
        scf.if %cond3A_255 {
          %sub3A = arith.constant 4 : i32
          %sub3A_283 = arith.subi %scan3A_248, %sub3A : i32
          %mul3A_284 = arith.constant 80 : i32
          %mul3A_285 = arith.muli %sub3A_283, %mul3A_284 : i32
          %add3A_286 = arith.addi %mul3A_0, %mul3A_285 : i32
          %dma_wait3A_287 = arith.constant 0 : i32
          %dma_wait3A_288 = arith.constant 0 : i32
          %dma_wait3A_289 = tpu.memref_slice %arg7[%rem3A_249, %dma_wait3A_287, %dma_wait3A_288] : memref<4x80x128xf32, #tpu.memory_space<vmem>> -> memref<1x80x128xf32, #tpu.memory_space<vmem>>
          %dma_wait3A_290 = tpu.memref_squeeze %dma_wait3A_289 : memref<1x80x128xf32, #tpu.memory_space<vmem>> -> memref<80x128xf32, #tpu.memory_space<vmem>>
          %dma_wait3A_291 = arith.constant 0 : i32
          %dma_wait3A_292 = tpu.memref_slice %arg5[%add3A_286, %dma_wait3A_291] : memref<320000x128xf32, #tpu.memory_space<hbm>> -> memref<80x128xf32, #tpu.memory_space<hbm>>
          %dma_wait3A_293 = arith.constant 0 : i32
          %dma_wait3A_294 = tpu.memref_slice %arg5[%add3A_286, %dma_wait3A_293] : memref<320000x128xf32, #tpu.memory_space<hbm>> -> memref<80x128xf32, #tpu.memory_space<hbm>>
          %dma_wait3A_295 = arith.constant 0 : i32
          %dma_wait3A_296 = arith.constant 0 : i32
          %dma_wait3A_297 = tpu.memref_slice %arg7[%rem3A_249, %dma_wait3A_295, %dma_wait3A_296] : memref<4x80x128xf32, #tpu.memory_space<vmem>> -> memref<1x80x128xf32, #tpu.memory_space<vmem>>
          %dma_wait3A_298 = tpu.memref_squeeze %dma_wait3A_297 : memref<1x80x128xf32, #tpu.memory_space<vmem>> -> memref<80x128xf32, #tpu.memory_space<vmem>>
          tpu.wait_dma2 semaphore(%arg12 : memref<!tpu.dma_semaphore, #tpu.memory_space<semaphore_mem>>) src(%dma_wait3A_298 : memref<80x128xf32, #tpu.memory_space<vmem>>) dst(%dma_wait3A_294 : memref<80x128xf32, #tpu.memory_space<hbm>>)
        } else {
        }
        %dma_wait3A_256 = arith.constant 0 : i32
        %dma_wait3A_257 = tpu.memref_slice %arg8[%rem3A_251, %dma_wait3A_256] : memref<8x80xi32, #tpu.memory_space<vmem>> -> memref<1x80xi32, #tpu.memory_space<vmem>>
        %dma_wait3A_258 = tpu.memref_squeeze %dma_wait3A_257 : memref<1x80xi32, #tpu.memory_space<vmem>> -> memref<80xi32, #tpu.memory_space<vmem>>
        %dma_wait3A_259 = arith.constant 0 : i32
        %dma_wait3A_260 = tpu.memref_slice %arg4[%arg1, %scan3A_248, %dma_wait3A_259] : memref<16x250x80xi32, #tpu.memory_space<hbm>> -> memref<1x1x80xi32, #tpu.memory_space<hbm>>
        %dma_wait3A_261 = tpu.memref_squeeze %dma_wait3A_260 : memref<1x1x80xi32, #tpu.memory_space<hbm>> -> memref<80xi32, #tpu.memory_space<hbm>>
        %dma_wait3A_262 = arith.constant 0 : i32
        %dma_wait3A_263 = tpu.memref_slice %arg8[%rem3A_251, %dma_wait3A_262] : memref<8x80xi32, #tpu.memory_space<vmem>> -> memref<1x80xi32, #tpu.memory_space<vmem>>
        %dma_wait3A_264 = tpu.memref_squeeze %dma_wait3A_263 : memref<1x80xi32, #tpu.memory_space<vmem>> -> memref<80xi32, #tpu.memory_space<vmem>>
        %dma_wait3A_265 = arith.constant 0 : i32
        %dma_wait3A_266 = tpu.memref_slice %arg4[%arg1, %scan3A_248, %dma_wait3A_265] : memref<16x250x80xi32, #tpu.memory_space<hbm>> -> memref<1x1x80xi32, #tpu.memory_space<hbm>>
        %dma_wait3A_267 = tpu.memref_squeeze %dma_wait3A_266 : memref<1x1x80xi32, #tpu.memory_space<hbm>> -> memref<80xi32, #tpu.memory_space<hbm>>
        tpu.wait_dma2 semaphore(%arg10 : memref<!tpu.dma_semaphore, #tpu.memory_space<semaphore_mem>>) src(%dma_wait3A_267 : memref<80xi32, #tpu.memory_space<hbm>>) dst(%dma_wait3A_264 : memref<80xi32, #tpu.memory_space<vmem>>)
        %dma_start3A_268 = arith.constant 0 : i32
        %dma_start3A_269 = arith.constant 0 : i32
        %dma_start3A_270 = tpu.memref_slice %arg7[%rem3A_249, %dma_start3A_268, %dma_start3A_269] : memref<4x80x128xf32, #tpu.memory_space<vmem>> -> memref<1x80x128xf32, #tpu.memory_space<vmem>>
        %dma_start3A_271 = tpu.memref_squeeze %dma_start3A_270 : memref<1x80x128xf32, #tpu.memory_space<vmem>> -> memref<80x128xf32, #tpu.memory_space<vmem>>
        %dma_start3A_272 = arith.constant 0 : i32
        %dma_start3A_273 = tpu.memref_slice %arg8[%rem3A_251, %dma_start3A_272] : memref<8x80xi32, #tpu.memory_space<vmem>> -> memref<1x80xi32, #tpu.memory_space<vmem>>
        %dma_start3A_274 = tpu.memref_squeeze %dma_start3A_273 : memref<1x80xi32, #tpu.memory_space<vmem>> -> memref<80xi32, #tpu.memory_space<vmem>>
        %dma_start3A_275 = arith.constant 0 : i32
        %dma_start3A_276 = arith.constant 0 : i32
        %dma_start3A_277 = tpu.memref_slice %arg9[%dma_start3A_275, %dma_start3A_276] : memref<10000x128xf32, #tpu.memory_space<vmem_shared>> -> memref<10000x128xf32, #tpu.memory_space<vmem_shared>>
        tpu.enqueue_indirect_dma source(%dma_start3A_277 : memref<10000x128xf32, #tpu.memory_space<vmem_shared>>) target(%dma_start3A_271 : memref<80x128xf32, #tpu.memory_space<vmem>>) offsets(%dma_start3A_274 : memref<80xi32, #tpu.memory_space<vmem>>) semaphore(%arg11 : memref<!tpu.dma_semaphore, #tpu.memory_space<semaphore_mem>>)
        %ge3A_278 = arith.constant 2 : i32
        %ge3A_279 = arith.cmpi sge, %scan3A_248, %ge3A_278 : i32
        %convert_element_type3A_280 = arith.extui %ge3A_279 : i1 to i32
        %cond3A_281 = arith.constant 0 : i32
        %cond3A_282 = arith.cmpi ne, %convert_element_type3A_280, %cond3A_281 : i32
        scf.if %cond3A_282 {
          %sub3A = arith.constant 2 : i32
          %sub3A_283 = arith.subi %scan3A_248, %sub3A : i32
          %rem3A_284 = arith.constant 4 : i32
          %rem3A_285 = arith.remsi %sub3A_283, %rem3A_284 : i32
          %sub3A_286 = arith.constant 2 : i32
          %sub3A_287 = arith.subi %scan3A_248, %sub3A_286 : i32
          %rem3A_288 = arith.constant 8 : i32
          %rem3A_289 = arith.remsi %sub3A_287, %rem3A_288 : i32
          %dma_wait3A_290 = arith.constant 0 : i32
          %dma_wait3A_291 = arith.constant 0 : i32
          %dma_wait3A_292 = tpu.memref_slice %arg7[%rem3A_285, %dma_wait3A_290, %dma_wait3A_291] : memref<4x80x128xf32, #tpu.memory_space<vmem>> -> memref<1x80x128xf32, #tpu.memory_space<vmem>>
          %dma_wait3A_293 = tpu.memref_squeeze %dma_wait3A_292 : memref<1x80x128xf32, #tpu.memory_space<vmem>> -> memref<80x128xf32, #tpu.memory_space<vmem>>
          %dma_wait3A_294 = arith.constant 0 : i32
          %dma_wait3A_295 = tpu.memref_slice %arg8[%rem3A_289, %dma_wait3A_294] : memref<8x80xi32, #tpu.memory_space<vmem>> -> memref<1x80xi32, #tpu.memory_space<vmem>>
          %dma_wait3A_296 = tpu.memref_squeeze %dma_wait3A_295 : memref<1x80xi32, #tpu.memory_space<vmem>> -> memref<80xi32, #tpu.memory_space<vmem>>
          %dma_wait3A_297 = arith.constant 0 : i32
          %dma_wait3A_298 = arith.constant 0 : i32
          %dma_wait3A_299 = tpu.memref_slice %arg9[%dma_wait3A_297, %dma_wait3A_298] : memref<10000x128xf32, #tpu.memory_space<vmem_shared>> -> memref<10000x128xf32, #tpu.memory_space<vmem_shared>>
          tpu.wait_indirect_dma semaphore(%arg11 : memref<!tpu.dma_semaphore, #tpu.memory_space<semaphore_mem>>) src(%dma_wait3A_299 : memref<10000x128xf32, #tpu.memory_space<vmem_shared>>) dst(%dma_wait3A_293 : memref<80x128xf32, #tpu.memory_space<vmem>>)
          %sub3A_300 = arith.constant 2 : i32
          %sub3A_301 = arith.subi %scan3A_248, %sub3A_300 : i32
          %add3A_302 = arith.constant 8 : i32
          %add3A_303 = arith.addi %sub3A_301, %add3A_302 : i32
          %lt3A = arith.constant 250 : i32
          %lt3A_304 = arith.cmpi slt, %add3A_303, %lt3A : i32
          %convert_element_type3A_305 = arith.extui %lt3A_304 : i1 to i32
          %cond3A_306 = arith.constant 0 : i32
          %cond3A_307 = arith.cmpi ne, %convert_element_type3A_305, %cond3A_306 : i32
          scf.if %cond3A_307 {
            %sub3A_325 = arith.constant 2 : i32
            %sub3A_326 = arith.subi %scan3A_248, %sub3A_325 : i32
            %add3A_327 = arith.constant 8 : i32
            %add3A_328 = arith.addi %sub3A_326, %add3A_327 : i32
            %dma_start3A_329 = arith.constant 0 : i32
            %dma_start3A_330 = tpu.memref_slice %arg8[%rem3A_289, %dma_start3A_329] : memref<8x80xi32, #tpu.memory_space<vmem>> -> memref<1x80xi32, #tpu.memory_space<vmem>>
            %dma_start3A_331 = tpu.memref_squeeze %dma_start3A_330 : memref<1x80xi32, #tpu.memory_space<vmem>> -> memref<80xi32, #tpu.memory_space<vmem>>
            %dma_start3A_332 = arith.constant 0 : i32
            %dma_start3A_333 = tpu.memref_slice %arg4[%arg1, %add3A_328, %dma_start3A_332] : memref<16x250x80xi32, #tpu.memory_space<hbm>> -> memref<1x1x80xi32, #tpu.memory_space<hbm>>
            %dma_start3A_334 = tpu.memref_squeeze %dma_start3A_333 : memref<1x1x80xi32, #tpu.memory_space<hbm>> -> memref<80xi32, #tpu.memory_space<hbm>>
            %dma_start3A_335 = arith.constant 0 : i32
            %dma_start3A_336 = tpu.memref_slice %arg8[%rem3A_289, %dma_start3A_335] : memref<8x80xi32, #tpu.memory_space<vmem>> -> memref<1x80xi32, #tpu.memory_space<vmem>>
            %dma_start3A_337 = tpu.memref_squeeze %dma_start3A_336 : memref<1x80xi32, #tpu.memory_space<vmem>> -> memref<80xi32, #tpu.memory_space<vmem>>
            %dma_start3A_338 = arith.constant 0 : i32
            %dma_start3A_339 = tpu.memref_slice %arg4[%arg1, %add3A_328, %dma_start3A_338] : memref<16x250x80xi32, #tpu.memory_space<hbm>> -> memref<1x1x80xi32, #tpu.memory_space<hbm>>
            %dma_start3A_340 = tpu.memref_squeeze %dma_start3A_339 : memref<1x1x80xi32, #tpu.memory_space<hbm>> -> memref<80xi32, #tpu.memory_space<hbm>>
            tpu.enqueue_dma source(%dma_start3A_340 : memref<80xi32, #tpu.memory_space<hbm>>) target(%dma_start3A_337 : memref<80xi32, #tpu.memory_space<vmem>>) target_semaphore(%arg10 : memref<!tpu.dma_semaphore, #tpu.memory_space<semaphore_mem>>)
          } else {
          }
          %sub3A_308 = arith.constant 2 : i32
          %sub3A_309 = arith.subi %scan3A_248, %sub3A_308 : i32
          %mul3A_310 = arith.constant 80 : i32
          %mul3A_311 = arith.muli %sub3A_309, %mul3A_310 : i32
          %add3A_312 = arith.addi %mul3A_0, %mul3A_311 : i32
          %dma_start3A_313 = arith.constant 0 : i32
          %dma_start3A_314 = arith.constant 0 : i32
          %dma_start3A_315 = tpu.memref_slice %arg7[%rem3A_285, %dma_start3A_313, %dma_start3A_314] : memref<4x80x128xf32, #tpu.memory_space<vmem>> -> memref<1x80x128xf32, #tpu.memory_space<vmem>>
          %dma_start3A_316 = tpu.memref_squeeze %dma_start3A_315 : memref<1x80x128xf32, #tpu.memory_space<vmem>> -> memref<80x128xf32, #tpu.memory_space<vmem>>
          %dma_start3A_317 = arith.constant 0 : i32
          %dma_start3A_318 = tpu.memref_slice %arg5[%add3A_312, %dma_start3A_317] : memref<320000x128xf32, #tpu.memory_space<hbm>> -> memref<80x128xf32, #tpu.memory_space<hbm>>
          %dma_start3A_319 = arith.constant 0 : i32
          %dma_start3A_320 = tpu.memref_slice %arg5[%add3A_312, %dma_start3A_319] : memref<320000x128xf32, #tpu.memory_space<hbm>> -> memref<80x128xf32, #tpu.memory_space<hbm>>
          %dma_start3A_321 = arith.constant 0 : i32
          %dma_start3A_322 = arith.constant 0 : i32
          %dma_start3A_323 = tpu.memref_slice %arg7[%rem3A_285, %dma_start3A_321, %dma_start3A_322] : memref<4x80x128xf32, #tpu.memory_space<vmem>> -> memref<1x80x128xf32, #tpu.memory_space<vmem>>
          %dma_start3A_324 = tpu.memref_squeeze %dma_start3A_323 : memref<1x80x128xf32, #tpu.memory_space<vmem>> -> memref<80x128xf32, #tpu.memory_space<vmem>>
          tpu.enqueue_dma source(%dma_start3A_324 : memref<80x128xf32, #tpu.memory_space<vmem>>) target(%dma_start3A_320 : memref<80x128xf32, #tpu.memory_space<hbm>>) target_semaphore(%arg12 : memref<!tpu.dma_semaphore, #tpu.memory_space<semaphore_mem>>)
        } else {
        }
      }
      %scan3A_135 = arith.constant 250 : i32
      %dma_wait3A = arith.constant 0 : i32
      %dma_wait3A_136 = arith.constant 0 : i32
      %dma_wait3A_137 = arith.constant 0 : i32
      %dma_wait3A_138 = arith.constant 0 : i32
      %dma_wait3A_139 = tpu.memref_slice %arg7[%dma_wait3A_136, %dma_wait3A_137, %dma_wait3A_138] : memref<4x80x128xf32, #tpu.memory_space<vmem>> -> memref<1x80x128xf32, #tpu.memory_space<vmem>>
      %dma_wait3A_140 = tpu.memref_squeeze %dma_wait3A_139 : memref<1x80x128xf32, #tpu.memory_space<vmem>> -> memref<80x128xf32, #tpu.memory_space<vmem>>
      %dma_wait3A_141 = arith.constant 0 : i32
      %dma_wait3A_142 = tpu.memref_slice %arg8[%dma_wait3A, %dma_wait3A_141] : memref<8x80xi32, #tpu.memory_space<vmem>> -> memref<1x80xi32, #tpu.memory_space<vmem>>
      %dma_wait3A_143 = tpu.memref_squeeze %dma_wait3A_142 : memref<1x80xi32, #tpu.memory_space<vmem>> -> memref<80xi32, #tpu.memory_space<vmem>>
      %dma_wait3A_144 = arith.constant 0 : i32
      %dma_wait3A_145 = arith.constant 0 : i32
      %dma_wait3A_146 = tpu.memref_slice %arg9[%dma_wait3A_144, %dma_wait3A_145] : memref<10000x128xf32, #tpu.memory_space<vmem_shared>> -> memref<10000x128xf32, #tpu.memory_space<vmem_shared>>
      tpu.wait_indirect_dma semaphore(%arg11 : memref<!tpu.dma_semaphore, #tpu.memory_space<semaphore_mem>>) src(%dma_wait3A_146 : memref<10000x128xf32, #tpu.memory_space<vmem_shared>>) dst(%dma_wait3A_140 : memref<80x128xf32, #tpu.memory_space<vmem>>)
      %add3A = arith.constant 19840 : i32
      %add3A_147 = arith.addi %mul3A_0, %add3A : i32
      %dma_start3A_148 = arith.constant 0 : i32
      %dma_start3A_149 = arith.constant 0 : i32
      %dma_start3A_150 = arith.constant 0 : i32
      %dma_start3A_151 = tpu.memref_slice %arg7[%dma_start3A_148, %dma_start3A_149, %dma_start3A_150] : memref<4x80x128xf32, #tpu.memory_space<vmem>> -> memref<1x80x128xf32, #tpu.memory_space<vmem>>
      %dma_start3A_152 = tpu.memref_squeeze %dma_start3A_151 : memref<1x80x128xf32, #tpu.memory_space<vmem>> -> memref<80x128xf32, #tpu.memory_space<vmem>>
      %dma_start3A_153 = arith.constant 0 : i32
      %dma_start3A_154 = tpu.memref_slice %arg5[%add3A_147, %dma_start3A_153] : memref<320000x128xf32, #tpu.memory_space<hbm>> -> memref<80x128xf32, #tpu.memory_space<hbm>>
      %dma_start3A_155 = arith.constant 0 : i32
      %dma_start3A_156 = tpu.memref_slice %arg5[%add3A_147, %dma_start3A_155] : memref<320000x128xf32, #tpu.memory_space<hbm>> -> memref<80x128xf32, #tpu.memory_space<hbm>>
      %dma_start3A_157 = arith.constant 0 : i32
      %dma_start3A_158 = arith.constant 0 : i32
      %dma_start3A_159 = tpu.memref_slice %arg7[%dma_start3A_148, %dma_start3A_157, %dma_start3A_158] : memref<4x80x128xf32, #tpu.memory_space<vmem>> -> memref<1x80x128xf32, #tpu.memory_space<vmem>>
      %dma_start3A_160 = tpu.memref_squeeze %dma_start3A_159 : memref<1x80x128xf32, #tpu.memory_space<vmem>> -> memref<80x128xf32, #tpu.memory_space<vmem>>
      tpu.enqueue_dma source(%dma_start3A_160 : memref<80x128xf32, #tpu.memory_space<vmem>>) target(%dma_start3A_156 : memref<80x128xf32, #tpu.memory_space<hbm>>) target_semaphore(%arg12 : memref<!tpu.dma_semaphore, #tpu.memory_space<semaphore_mem>>)
      %dma_wait3A_161 = arith.constant 1 : i32
      %dma_wait3A_162 = arith.constant 1 : i32
      %dma_wait3A_163 = arith.constant 0 : i32
      %dma_wait3A_164 = arith.constant 0 : i32
      %dma_wait3A_165 = tpu.memref_slice %arg7[%dma_wait3A_162, %dma_wait3A_163, %dma_wait3A_164] : memref<4x80x128xf32, #tpu.memory_space<vmem>> -> memref<1x80x128xf32, #tpu.memory_space<vmem>>
      %dma_wait3A_166 = tpu.memref_squeeze %dma_wait3A_165 : memref<1x80x128xf32, #tpu.memory_space<vmem>> -> memref<80x128xf32, #tpu.memory_space<vmem>>
      %dma_wait3A_167 = arith.constant 0 : i32
      %dma_wait3A_168 = tpu.memref_slice %arg8[%dma_wait3A_161, %dma_wait3A_167] : memref<8x80xi32, #tpu.memory_space<vmem>> -> memref<1x80xi32, #tpu.memory_space<vmem>>
      %dma_wait3A_169 = tpu.memref_squeeze %dma_wait3A_168 : memref<1x80xi32, #tpu.memory_space<vmem>> -> memref<80xi32, #tpu.memory_space<vmem>>
      %dma_wait3A_170 = arith.constant 0 : i32
      %dma_wait3A_171 = arith.constant 0 : i32
      %dma_wait3A_172 = tpu.memref_slice %arg9[%dma_wait3A_170, %dma_wait3A_171] : memref<10000x128xf32, #tpu.memory_space<vmem_shared>> -> memref<10000x128xf32, #tpu.memory_space<vmem_shared>>
      tpu.wait_indirect_dma semaphore(%arg11 : memref<!tpu.dma_semaphore, #tpu.memory_space<semaphore_mem>>) src(%dma_wait3A_172 : memref<10000x128xf32, #tpu.memory_space<vmem_shared>>) dst(%dma_wait3A_166 : memref<80x128xf32, #tpu.memory_space<vmem>>)
      %add3A_173 = arith.constant 19920 : i32
      %add3A_174 = arith.addi %mul3A_0, %add3A_173 : i32
      %dma_start3A_175 = arith.constant 1 : i32
      %dma_start3A_176 = arith.constant 0 : i32
      %dma_start3A_177 = arith.constant 0 : i32
      %dma_start3A_178 = tpu.memref_slice %arg7[%dma_start3A_175, %dma_start3A_176, %dma_start3A_177] : memref<4x80x128xf32, #tpu.memory_space<vmem>> -> memref<1x80x128xf32, #tpu.memory_space<vmem>>
      %dma_start3A_179 = tpu.memref_squeeze %dma_start3A_178 : memref<1x80x128xf32, #tpu.memory_space<vmem>> -> memref<80x128xf32, #tpu.memory_space<vmem>>
      %dma_start3A_180 = arith.constant 0 : i32
      %dma_start3A_181 = tpu.memref_slice %arg5[%add3A_174, %dma_start3A_180] : memref<320000x128xf32, #tpu.memory_space<hbm>> -> memref<80x128xf32, #tpu.memory_space<hbm>>
      %dma_start3A_182 = arith.constant 0 : i32
      %dma_start3A_183 = tpu.memref_slice %arg5[%add3A_174, %dma_start3A_182] : memref<320000x128xf32, #tpu.memory_space<hbm>> -> memref<80x128xf32, #tpu.memory_space<hbm>>
      %dma_start3A_184 = arith.constant 0 : i32
      %dma_start3A_185 = arith.constant 0 : i32
      %dma_start3A_186 = tpu.memref_slice %arg7[%dma_start3A_175, %dma_start3A_184, %dma_start3A_185] : memref<4x80x128xf32, #tpu.memory_space<vmem>> -> memref<1x80x128xf32, #tpu.memory_space<vmem>>
      %dma_start3A_187 = tpu.memref_squeeze %dma_start3A_186 : memref<1x80x128xf32, #tpu.memory_space<vmem>> -> memref<80x128xf32, #tpu.memory_space<vmem>>
      tpu.enqueue_dma source(%dma_start3A_187 : memref<80x128xf32, #tpu.memory_space<vmem>>) target(%dma_start3A_183 : memref<80x128xf32, #tpu.memory_space<hbm>>) target_semaphore(%arg12 : memref<!tpu.dma_semaphore, #tpu.memory_space<semaphore_mem>>)
      %add3A_188 = arith.constant 19680 : i32
      %add3A_189 = arith.addi %mul3A_0, %add3A_188 : i32
      %dma_wait3A_190 = arith.constant 2 : i32
      %dma_wait3A_191 = arith.constant 0 : i32
      %dma_wait3A_192 = arith.constant 0 : i32
      %dma_wait3A_193 = tpu.memref_slice %arg7[%dma_wait3A_190, %dma_wait3A_191, %dma_wait3A_192] : memref<4x80x128xf32, #tpu.memory_space<vmem>> -> memref<1x80x128xf32, #tpu.memory_space<vmem>>
      %dma_wait3A_194 = tpu.memref_squeeze %dma_wait3A_193 : memref<1x80x128xf32, #tpu.memory_space<vmem>> -> memref<80x128xf32, #tpu.memory_space<vmem>>
      %dma_wait3A_195 = arith.constant 0 : i32
      %dma_wait3A_196 = tpu.memref_slice %arg5[%add3A_189, %dma_wait3A_195] : memref<320000x128xf32, #tpu.memory_space<hbm>> -> memref<80x128xf32, #tpu.memory_space<hbm>>
      %dma_wait3A_197 = arith.constant 0 : i32
      %dma_wait3A_198 = tpu.memref_slice %arg5[%add3A_189, %dma_wait3A_197] : memref<320000x128xf32, #tpu.memory_space<hbm>> -> memref<80x128xf32, #tpu.memory_space<hbm>>
      %dma_wait3A_199 = arith.constant 0 : i32
      %dma_wait3A_200 = arith.constant 0 : i32
      %dma_wait3A_201 = tpu.memref_slice %arg7[%dma_wait3A_190, %dma_wait3A_199, %dma_wait3A_200] : memref<4x80x128xf32, #tpu.memory_space<vmem>> -> memref<1x80x128xf32, #tpu.memory_space<vmem>>
      %dma_wait3A_202 = tpu.memref_squeeze %dma_wait3A_201 : memref<1x80x128xf32, #tpu.memory_space<vmem>> -> memref<80x128xf32, #tpu.memory_space<vmem>>
      tpu.wait_dma2 semaphore(%arg12 : memref<!tpu.dma_semaphore, #tpu.memory_space<semaphore_mem>>) src(%dma_wait3A_202 : memref<80x128xf32, #tpu.memory_space<vmem>>) dst(%dma_wait3A_198 : memref<80x128xf32, #tpu.memory_space<hbm>>)
      %add3A_203 = arith.constant 19760 : i32
      %add3A_204 = arith.addi %mul3A_0, %add3A_203 : i32
      %dma_wait3A_205 = arith.constant 3 : i32
      %dma_wait3A_206 = arith.constant 0 : i32
      %dma_wait3A_207 = arith.constant 0 : i32
      %dma_wait3A_208 = tpu.memref_slice %arg7[%dma_wait3A_205, %dma_wait3A_206, %dma_wait3A_207] : memref<4x80x128xf32, #tpu.memory_space<vmem>> -> memref<1x80x128xf32, #tpu.memory_space<vmem>>
      %dma_wait3A_209 = tpu.memref_squeeze %dma_wait3A_208 : memref<1x80x128xf32, #tpu.memory_space<vmem>> -> memref<80x128xf32, #tpu.memory_space<vmem>>
      %dma_wait3A_210 = arith.constant 0 : i32
      %dma_wait3A_211 = tpu.memref_slice %arg5[%add3A_204, %dma_wait3A_210] : memref<320000x128xf32, #tpu.memory_space<hbm>> -> memref<80x128xf32, #tpu.memory_space<hbm>>
      %dma_wait3A_212 = arith.constant 0 : i32
      %dma_wait3A_213 = tpu.memref_slice %arg5[%add3A_204, %dma_wait3A_212] : memref<320000x128xf32, #tpu.memory_space<hbm>> -> memref<80x128xf32, #tpu.memory_space<hbm>>
      %dma_wait3A_214 = arith.constant 0 : i32
      %dma_wait3A_215 = arith.constant 0 : i32
      %dma_wait3A_216 = tpu.memref_slice %arg7[%dma_wait3A_205, %dma_wait3A_214, %dma_wait3A_215] : memref<4x80x128xf32, #tpu.memory_space<vmem>> -> memref<1x80x128xf32, #tpu.memory_space<vmem>>
      %dma_wait3A_217 = tpu.memref_squeeze %dma_wait3A_216 : memref<1x80x128xf32, #tpu.memory_space<vmem>> -> memref<80x128xf32, #tpu.memory_space<vmem>>
      tpu.wait_dma2 semaphore(%arg12 : memref<!tpu.dma_semaphore, #tpu.memory_space<semaphore_mem>>) src(%dma_wait3A_217 : memref<80x128xf32, #tpu.memory_space<vmem>>) dst(%dma_wait3A_213 : memref<80x128xf32, #tpu.memory_space<hbm>>)
      %add3A_218 = arith.constant 19840 : i32
      %add3A_219 = arith.addi %mul3A_0, %add3A_218 : i32
      %dma_wait3A_220 = arith.constant 0 : i32
      %dma_wait3A_221 = arith.constant 0 : i32
      %dma_wait3A_222 = arith.constant 0 : i32
      %dma_wait3A_223 = tpu.memref_slice %arg7[%dma_wait3A_220, %dma_wait3A_221, %dma_wait3A_222] : memref<4x80x128xf32, #tpu.memory_space<vmem>> -> memref<1x80x128xf32, #tpu.memory_space<vmem>>
      %dma_wait3A_224 = tpu.memref_squeeze %dma_wait3A_223 : memref<1x80x128xf32, #tpu.memory_space<vmem>> -> memref<80x128xf32, #tpu.memory_space<vmem>>
      %dma_wait3A_225 = arith.constant 0 : i32
      %dma_wait3A_226 = tpu.memref_slice %arg5[%add3A_219, %dma_wait3A_225] : memref<320000x128xf32, #tpu.memory_space<hbm>> -> memref<80x128xf32, #tpu.memory_space<hbm>>
      %dma_wait3A_227 = arith.constant 0 : i32
      %dma_wait3A_228 = tpu.memref_slice %arg5[%add3A_219, %dma_wait3A_227] : memref<320000x128xf32, #tpu.memory_space<hbm>> -> memref<80x128xf32, #tpu.memory_space<hbm>>
      %dma_wait3A_229 = arith.constant 0 : i32
      %dma_wait3A_230 = arith.constant 0 : i32
      %dma_wait3A_231 = tpu.memref_slice %arg7[%dma_wait3A_220, %dma_wait3A_229, %dma_wait3A_230] : memref<4x80x128xf32, #tpu.memory_space<vmem>> -> memref<1x80x128xf32, #tpu.memory_space<vmem>>
      %dma_wait3A_232 = tpu.memref_squeeze %dma_wait3A_231 : memref<1x80x128xf32, #tpu.memory_space<vmem>> -> memref<80x128xf32, #tpu.memory_space<vmem>>
      tpu.wait_dma2 semaphore(%arg12 : memref<!tpu.dma_semaphore, #tpu.memory_space<semaphore_mem>>) src(%dma_wait3A_232 : memref<80x128xf32, #tpu.memory_space<vmem>>) dst(%dma_wait3A_228 : memref<80x128xf32, #tpu.memory_space<hbm>>)
      %add3A_233 = arith.constant 19920 : i32
      %add3A_234 = arith.addi %mul3A_0, %add3A_233 : i32
      %dma_wait3A_235 = arith.constant 1 : i32
      %dma_wait3A_236 = arith.constant 0 : i32
      %dma_wait3A_237 = arith.constant 0 : i32
      %dma_wait3A_238 = tpu.memref_slice %arg7[%dma_wait3A_235, %dma_wait3A_236, %dma_wait3A_237] : memref<4x80x128xf32, #tpu.memory_space<vmem>> -> memref<1x80x128xf32, #tpu.memory_space<vmem>>
      %dma_wait3A_239 = tpu.memref_squeeze %dma_wait3A_238 : memref<1x80x128xf32, #tpu.memory_space<vmem>> -> memref<80x128xf32, #tpu.memory_space<vmem>>
      %dma_wait3A_240 = arith.constant 0 : i32
      %dma_wait3A_241 = tpu.memref_slice %arg5[%add3A_234, %dma_wait3A_240] : memref<320000x128xf32, #tpu.memory_space<hbm>> -> memref<80x128xf32, #tpu.memory_space<hbm>>
      %dma_wait3A_242 = arith.constant 0 : i32
      %dma_wait3A_243 = tpu.memref_slice %arg5[%add3A_234, %dma_wait3A_242] : memref<320000x128xf32, #tpu.memory_space<hbm>> -> memref<80x128xf32, #tpu.memory_space<hbm>>
      %dma_wait3A_244 = arith.constant 0 : i32
      %dma_wait3A_245 = arith.constant 0 : i32
      %dma_wait3A_246 = tpu.memref_slice %arg7[%dma_wait3A_235, %dma_wait3A_244, %dma_wait3A_245] : memref<4x80x128xf32, #tpu.memory_space<vmem>> -> memref<1x80x128xf32, #tpu.memory_space<vmem>>
      %dma_wait3A_247 = tpu.memref_squeeze %dma_wait3A_246 : memref<1x80x128xf32, #tpu.memory_space<vmem>> -> memref<80x128xf32, #tpu.memory_space<vmem>>
      tpu.wait_dma2 semaphore(%arg12 : memref<!tpu.dma_semaphore, #tpu.memory_space<semaphore_mem>>) src(%dma_wait3A_247 : memref<80x128xf32, #tpu.memory_space<vmem>>) dst(%dma_wait3A_243 : memref<80x128xf32, #tpu.memory_space<hbm>>)
    } else {
    }
    %eq3A_15 = arith.constant 1 : i32
    %eq3A_16 = arith.cmpi eq, %arg0, %eq3A_15 : i32
    %convert_element_type3A_17 = arith.extui %eq3A_16 : i1 to i32
    %cond3A_18 = arith.constant 0 : i32
    %cond3A_19 = arith.cmpi ne, %convert_element_type3A_17, %cond3A_18 : i32
    scf.if %cond3A_19 {
      %dma_start3A = arith.constant 0 : i32
      %dma_start3A_20 = arith.constant 0 : i32
      %dma_start3A_21 = arith.constant 0 : i32
      %dma_start3A_22 = tpu.memref_slice %arg8[%dma_start3A_20, %dma_start3A_21] : memref<8x80xi32, #tpu.memory_space<vmem>> -> memref<1x80xi32, #tpu.memory_space<vmem>>
      %dma_start3A_23 = tpu.memref_squeeze %dma_start3A_22 : memref<1x80xi32, #tpu.memory_space<vmem>> -> memref<80xi32, #tpu.memory_space<vmem>>
      %dma_start3A_24 = arith.constant 0 : i32
      %dma_start3A_25 = tpu.memref_slice %arg4[%arg1, %dma_start3A, %dma_start3A_24] : memref<16x250x80xi32, #tpu.memory_space<hbm>> -> memref<1x1x80xi32, #tpu.memory_space<hbm>>
      %dma_start3A_26 = tpu.memref_squeeze %dma_start3A_25 : memref<1x1x80xi32, #tpu.memory_space<hbm>> -> memref<80xi32, #tpu.memory_space<hbm>>
      %dma_start3A_27 = arith.constant 0 : i32
      %dma_start3A_28 = tpu.memref_slice %arg8[%dma_start3A_20, %dma_start3A_27] : memref<8x80xi32, #tpu.memory_space<vmem>> -> memref<1x80xi32, #tpu.memory_space<vmem>>
      %dma_start3A_29 = tpu.memref_squeeze %dma_start3A_28 : memref<1x80xi32, #tpu.memory_space<vmem>> -> memref<80xi32, #tpu.memory_space<vmem>>
      %dma_start3A_30 = arith.constant 0 : i32
      %dma_start3A_31 = tpu.memref_slice %arg4[%arg1, %dma_start3A, %dma_start3A_30] : memref<16x250x80xi32, #tpu.memory_space<hbm>> -> memref<1x1x80xi32, #tpu.memory_space<hbm>>
      %dma_start3A_32 = tpu.memref_squeeze %dma_start3A_31 : memref<1x1x80xi32, #tpu.memory_space<hbm>> -> memref<80xi32, #tpu.memory_space<hbm>>
      tpu.enqueue_dma source(%dma_start3A_32 : memref<80xi32, #tpu.memory_space<hbm>>) target(%dma_start3A_29 : memref<80xi32, #tpu.memory_space<vmem>>) target_semaphore(%arg10 : memref<!tpu.dma_semaphore, #tpu.memory_space<semaphore_mem>>)
      %dma_start3A_33 = arith.constant 1 : i32
      %dma_start3A_34 = arith.constant 1 : i32
      %dma_start3A_35 = arith.constant 0 : i32
      %dma_start3A_36 = tpu.memref_slice %arg8[%dma_start3A_34, %dma_start3A_35] : memref<8x80xi32, #tpu.memory_space<vmem>> -> memref<1x80xi32, #tpu.memory_space<vmem>>
      %dma_start3A_37 = tpu.memref_squeeze %dma_start3A_36 : memref<1x80xi32, #tpu.memory_space<vmem>> -> memref<80xi32, #tpu.memory_space<vmem>>
      %dma_start3A_38 = arith.constant 0 : i32
      %dma_start3A_39 = tpu.memref_slice %arg4[%arg1, %dma_start3A_33, %dma_start3A_38] : memref<16x250x80xi32, #tpu.memory_space<hbm>> -> memref<1x1x80xi32, #tpu.memory_space<hbm>>
      %dma_start3A_40 = tpu.memref_squeeze %dma_start3A_39 : memref<1x1x80xi32, #tpu.memory_space<hbm>> -> memref<80xi32, #tpu.memory_space<hbm>>
      %dma_start3A_41 = arith.constant 0 : i32
      %dma_start3A_42 = tpu.memref_slice %arg8[%dma_start3A_34, %dma_start3A_41] : memref<8x80xi32, #tpu.memory_space<vmem>> -> memref<1x80xi32, #tpu.memory_space<vmem>>
      %dma_start3A_43 = tpu.memref_squeeze %dma_start3A_42 : memref<1x80xi32, #tpu.memory_space<vmem>> -> memref<80xi32, #tpu.memory_space<vmem>>
      %dma_start3A_44 = arith.constant 0 : i32
      %dma_start3A_45 = tpu.memref_slice %arg4[%arg1, %dma_start3A_33, %dma_start3A_44] : memref<16x250x80xi32, #tpu.memory_space<hbm>> -> memref<1x1x80xi32, #tpu.memory_space<hbm>>
      %dma_start3A_46 = tpu.memref_squeeze %dma_start3A_45 : memref<1x1x80xi32, #tpu.memory_space<hbm>> -> memref<80xi32, #tpu.memory_space<hbm>>
      tpu.enqueue_dma source(%dma_start3A_46 : memref<80xi32, #tpu.memory_space<hbm>>) target(%dma_start3A_43 : memref<80xi32, #tpu.memory_space<vmem>>) target_semaphore(%arg10 : memref<!tpu.dma_semaphore, #tpu.memory_space<semaphore_mem>>)
      %dma_start3A_47 = arith.constant 2 : i32
      %dma_start3A_48 = arith.constant 2 : i32
      %dma_start3A_49 = arith.constant 0 : i32
      %dma_start3A_50 = tpu.memref_slice %arg8[%dma_start3A_48, %dma_start3A_49] : memref<8x80xi32, #tpu.memory_space<vmem>> -> memref<1x80xi32, #tpu.memory_space<vmem>>
      %dma_start3A_51 = tpu.memref_squeeze %dma_start3A_50 : memref<1x80xi32, #tpu.memory_space<vmem>> -> memref<80xi32, #tpu.memory_space<vmem>>
      %dma_start3A_52 = arith.constant 0 : i32
      %dma_start3A_53 = tpu.memref_slice %arg4[%arg1, %dma_start3A_47, %dma_start3A_52] : memref<16x250x80xi32, #tpu.memory_space<hbm>> -> memref<1x1x80xi32, #tpu.memory_space<hbm>>
      %dma_start3A_54 = tpu.memref_squeeze %dma_start3A_53 : memref<1x1x80xi32, #tpu.memory_space<hbm>> -> memref<80xi32, #tpu.memory_space<hbm>>
      %dma_start3A_55 = arith.constant 0 : i32
      %dma_start3A_56 = tpu.memref_slice %arg8[%dma_start3A_48, %dma_start3A_55] : memref<8x80xi32, #tpu.memory_space<vmem>> -> memref<1x80xi32, #tpu.memory_space<vmem>>
      %dma_start3A_57 = tpu.memref_squeeze %dma_start3A_56 : memref<1x80xi32, #tpu.memory_space<vmem>> -> memref<80xi32, #tpu.memory_space<vmem>>
      %dma_start3A_58 = arith.constant 0 : i32
      %dma_start3A_59 = tpu.memref_slice %arg4[%arg1, %dma_start3A_47, %dma_start3A_58] : memref<16x250x80xi32, #tpu.memory_space<hbm>> -> memref<1x1x80xi32, #tpu.memory_space<hbm>>
      %dma_start3A_60 = tpu.memref_squeeze %dma_start3A_59 : memref<1x1x80xi32, #tpu.memory_space<hbm>> -> memref<80xi32, #tpu.memory_space<hbm>>
      tpu.enqueue_dma source(%dma_start3A_60 : memref<80xi32, #tpu.memory_space<hbm>>) target(%dma_start3A_57 : memref<80xi32, #tpu.memory_space<vmem>>) target_semaphore(%arg10 : memref<!tpu.dma_semaphore, #tpu.memory_space<semaphore_mem>>)
      %dma_start3A_61 = arith.constant 3 : i32
      %dma_start3A_62 = arith.constant 3 : i32
      %dma_start3A_63 = arith.constant 0 : i32
      %dma_start3A_64 = tpu.memref_slice %arg8[%dma_start3A_62, %dma_start3A_63] : memref<8x80xi32, #tpu.memory_space<vmem>> -> memref<1x80xi32, #tpu.memory_space<vmem>>
      %dma_start3A_65 = tpu.memref_squeeze %dma_start3A_64 : memref<1x80xi32, #tpu.memory_space<vmem>> -> memref<80xi32, #tpu.memory_space<vmem>>
      %dma_start3A_66 = arith.constant 0 : i32
      %dma_start3A_67 = tpu.memref_slice %arg4[%arg1, %dma_start3A_61, %dma_start3A_66] : memref<16x250x80xi32, #tpu.memory_space<hbm>> -> memref<1x1x80xi32, #tpu.memory_space<hbm>>
      %dma_start3A_68 = tpu.memref_squeeze %dma_start3A_67 : memref<1x1x80xi32, #tpu.memory_space<hbm>> -> memref<80xi32, #tpu.memory_space<hbm>>
      %dma_start3A_69 = arith.constant 0 : i32
      %dma_start3A_70 = tpu.memref_slice %arg8[%dma_start3A_62, %dma_start3A_69] : memref<8x80xi32, #tpu.memory_space<vmem>> -> memref<1x80xi32, #tpu.memory_space<vmem>>
      %dma_start3A_71 = tpu.memref_squeeze %dma_start3A_70 : memref<1x80xi32, #tpu.memory_space<vmem>> -> memref<80xi32, #tpu.memory_space<vmem>>
      %dma_start3A_72 = arith.constant 0 : i32
      %dma_start3A_73 = tpu.memref_slice %arg4[%arg1, %dma_start3A_61, %dma_start3A_72] : memref<16x250x80xi32, #tpu.memory_space<hbm>> -> memref<1x1x80xi32, #tpu.memory_space<hbm>>
      %dma_start3A_74 = tpu.memref_squeeze %dma_start3A_73 : memref<1x1x80xi32, #tpu.memory_space<hbm>> -> memref<80xi32, #tpu.memory_space<hbm>>
      tpu.enqueue_dma source(%dma_start3A_74 : memref<80xi32, #tpu.memory_space<hbm>>) target(%dma_start3A_71 : memref<80xi32, #tpu.memory_space<vmem>>) target_semaphore(%arg10 : memref<!tpu.dma_semaphore, #tpu.memory_space<semaphore_mem>>)
      %dma_start3A_75 = arith.constant 4 : i32
      %dma_start3A_76 = arith.constant 4 : i32
      %dma_start3A_77 = arith.constant 0 : i32
      %dma_start3A_78 = tpu.memref_slice %arg8[%dma_start3A_76, %dma_start3A_77] : memref<8x80xi32, #tpu.memory_space<vmem>> -> memref<1x80xi32, #tpu.memory_space<vmem>>
      %dma_start3A_79 = tpu.memref_squeeze %dma_start3A_78 : memref<1x80xi32, #tpu.memory_space<vmem>> -> memref<80xi32, #tpu.memory_space<vmem>>
      %dma_start3A_80 = arith.constant 0 : i32
      %dma_start3A_81 = tpu.memref_slice %arg4[%arg1, %dma_start3A_75, %dma_start3A_80] : memref<16x250x80xi32, #tpu.memory_space<hbm>> -> memref<1x1x80xi32, #tpu.memory_space<hbm>>
      %dma_start3A_82 = tpu.memref_squeeze %dma_start3A_81 : memref<1x1x80xi32, #tpu.memory_space<hbm>> -> memref<80xi32, #tpu.memory_space<hbm>>
      %dma_start3A_83 = arith.constant 0 : i32
      %dma_start3A_84 = tpu.memref_slice %arg8[%dma_start3A_76, %dma_start3A_83] : memref<8x80xi32, #tpu.memory_space<vmem>> -> memref<1x80xi32, #tpu.memory_space<vmem>>
      %dma_start3A_85 = tpu.memref_squeeze %dma_start3A_84 : memref<1x80xi32, #tpu.memory_space<vmem>> -> memref<80xi32, #tpu.memory_space<vmem>>
      %dma_start3A_86 = arith.constant 0 : i32
      %dma_start3A_87 = tpu.memref_slice %arg4[%arg1, %dma_start3A_75, %dma_start3A_86] : memref<16x250x80xi32, #tpu.memory_space<hbm>> -> memref<1x1x80xi32, #tpu.memory_space<hbm>>
      %dma_start3A_88 = tpu.memref_squeeze %dma_start3A_87 : memref<1x1x80xi32, #tpu.memory_space<hbm>> -> memref<80xi32, #tpu.memory_space<hbm>>
      tpu.enqueue_dma source(%dma_start3A_88 : memref<80xi32, #tpu.memory_space<hbm>>) target(%dma_start3A_85 : memref<80xi32, #tpu.memory_space<vmem>>) target_semaphore(%arg10 : memref<!tpu.dma_semaphore, #tpu.memory_space<semaphore_mem>>)
      %dma_start3A_89 = arith.constant 5 : i32
      %dma_start3A_90 = arith.constant 5 : i32
      %dma_start3A_91 = arith.constant 0 : i32
      %dma_start3A_92 = tpu.memref_slice %arg8[%dma_start3A_90, %dma_start3A_91] : memref<8x80xi32, #tpu.memory_space<vmem>> -> memref<1x80xi32, #tpu.memory_space<vmem>>
      %dma_start3A_93 = tpu.memref_squeeze %dma_start3A_92 : memref<1x80xi32, #tpu.memory_space<vmem>> -> memref<80xi32, #tpu.memory_space<vmem>>
      %dma_start3A_94 = arith.constant 0 : i32
      %dma_start3A_95 = tpu.memref_slice %arg4[%arg1, %dma_start3A_89, %dma_start3A_94] : memref<16x250x80xi32, #tpu.memory_space<hbm>> -> memref<1x1x80xi32, #tpu.memory_space<hbm>>
      %dma_start3A_96 = tpu.memref_squeeze %dma_start3A_95 : memref<1x1x80xi32, #tpu.memory_space<hbm>> -> memref<80xi32, #tpu.memory_space<hbm>>
      %dma_start3A_97 = arith.constant 0 : i32
      %dma_start3A_98 = tpu.memref_slice %arg8[%dma_start3A_90, %dma_start3A_97] : memref<8x80xi32, #tpu.memory_space<vmem>> -> memref<1x80xi32, #tpu.memory_space<vmem>>
      %dma_start3A_99 = tpu.memref_squeeze %dma_start3A_98 : memref<1x80xi32, #tpu.memory_space<vmem>> -> memref<80xi32, #tpu.memory_space<vmem>>
      %dma_start3A_100 = arith.constant 0 : i32
      %dma_start3A_101 = tpu.memref_slice %arg4[%arg1, %dma_start3A_89, %dma_start3A_100] : memref<16x250x80xi32, #tpu.memory_space<hbm>> -> memref<1x1x80xi32, #tpu.memory_space<hbm>>
      %dma_start3A_102 = tpu.memref_squeeze %dma_start3A_101 : memref<1x1x80xi32, #tpu.memory_space<hbm>> -> memref<80xi32, #tpu.memory_space<hbm>>
      tpu.enqueue_dma source(%dma_start3A_102 : memref<80xi32, #tpu.memory_space<hbm>>) target(%dma_start3A_99 : memref<80xi32, #tpu.memory_space<vmem>>) target_semaphore(%arg10 : memref<!tpu.dma_semaphore, #tpu.memory_space<semaphore_mem>>)
      %dma_start3A_103 = arith.constant 6 : i32
      %dma_start3A_104 = arith.constant 6 : i32
      %dma_start3A_105 = arith.constant 0 : i32
      %dma_start3A_106 = tpu.memref_slice %arg8[%dma_start3A_104, %dma_start3A_105] : memref<8x80xi32, #tpu.memory_space<vmem>> -> memref<1x80xi32, #tpu.memory_space<vmem>>
      %dma_start3A_107 = tpu.memref_squeeze %dma_start3A_106 : memref<1x80xi32, #tpu.memory_space<vmem>> -> memref<80xi32, #tpu.memory_space<vmem>>
      %dma_start3A_108 = arith.constant 0 : i32
      %dma_start3A_109 = tpu.memref_slice %arg4[%arg1, %dma_start3A_103, %dma_start3A_108] : memref<16x250x80xi32, #tpu.memory_space<hbm>> -> memref<1x1x80xi32, #tpu.memory_space<hbm>>
      %dma_start3A_110 = tpu.memref_squeeze %dma_start3A_109 : memref<1x1x80xi32, #tpu.memory_space<hbm>> -> memref<80xi32, #tpu.memory_space<hbm>>
      %dma_start3A_111 = arith.constant 0 : i32
      %dma_start3A_112 = tpu.memref_slice %arg8[%dma_start3A_104, %dma_start3A_111] : memref<8x80xi32, #tpu.memory_space<vmem>> -> memref<1x80xi32, #tpu.memory_space<vmem>>
      %dma_start3A_113 = tpu.memref_squeeze %dma_start3A_112 : memref<1x80xi32, #tpu.memory_space<vmem>> -> memref<80xi32, #tpu.memory_space<vmem>>
      %dma_start3A_114 = arith.constant 0 : i32
      %dma_start3A_115 = tpu.memref_slice %arg4[%arg1, %dma_start3A_103, %dma_start3A_114] : memref<16x250x80xi32, #tpu.memory_space<hbm>> -> memref<1x1x80xi32, #tpu.memory_space<hbm>>
      %dma_start3A_116 = tpu.memref_squeeze %dma_start3A_115 : memref<1x1x80xi32, #tpu.memory_space<hbm>> -> memref<80xi32, #tpu.memory_space<hbm>>
      tpu.enqueue_dma source(%dma_start3A_116 : memref<80xi32, #tpu.memory_space<hbm>>) target(%dma_start3A_113 : memref<80xi32, #tpu.memory_space<vmem>>) target_semaphore(%arg10 : memref<!tpu.dma_semaphore, #tpu.memory_space<semaphore_mem>>)
      %dma_start3A_117 = arith.constant 7 : i32
      %dma_start3A_118 = arith.constant 7 : i32
      %dma_start3A_119 = arith.constant 0 : i32
      %dma_start3A_120 = tpu.memref_slice %arg8[%dma_start3A_118, %dma_start3A_119] : memref<8x80xi32, #tpu.memory_space<vmem>> -> memref<1x80xi32, #tpu.memory_space<vmem>>
      %dma_start3A_121 = tpu.memref_squeeze %dma_start3A_120 : memref<1x80xi32, #tpu.memory_space<vmem>> -> memref<80xi32, #tpu.memory_space<vmem>>
      %dma_start3A_122 = arith.constant 0 : i32
      %dma_start3A_123 = tpu.memref_slice %arg4[%arg1, %dma_start3A_117, %dma_start3A_122] : memref<16x250x80xi32, #tpu.memory_space<hbm>> -> memref<1x1x80xi32, #tpu.memory_space<hbm>>
      %dma_start3A_124 = tpu.memref_squeeze %dma_start3A_123 : memref<1x1x80xi32, #tpu.memory_space<hbm>> -> memref<80xi32, #tpu.memory_space<hbm>>
      %dma_start3A_125 = arith.constant 0 : i32
      %dma_start3A_126 = tpu.memref_slice %arg8[%dma_start3A_118, %dma_start3A_125] : memref<8x80xi32, #tpu.memory_space<vmem>> -> memref<1x80xi32, #tpu.memory_space<vmem>>
      %dma_start3A_127 = tpu.memref_squeeze %dma_start3A_126 : memref<1x80xi32, #tpu.memory_space<vmem>> -> memref<80xi32, #tpu.memory_space<vmem>>
      %dma_start3A_128 = arith.constant 0 : i32
      %dma_start3A_129 = tpu.memref_slice %arg4[%arg1, %dma_start3A_117, %dma_start3A_128] : memref<16x250x80xi32, #tpu.memory_space<hbm>> -> memref<1x1x80xi32, #tpu.memory_space<hbm>>
      %dma_start3A_130 = tpu.memref_squeeze %dma_start3A_129 : memref<1x1x80xi32, #tpu.memory_space<hbm>> -> memref<80xi32, #tpu.memory_space<hbm>>
      tpu.enqueue_dma source(%dma_start3A_130 : memref<80xi32, #tpu.memory_space<hbm>>) target(%dma_start3A_127 : memref<80xi32, #tpu.memory_space<vmem>>) target_semaphore(%arg10 : memref<!tpu.dma_semaphore, #tpu.memory_space<semaphore_mem>>)
      %scan3A = arith.constant 0 : i32
      %scan3A_131 = arith.constant 0 : i32
      %scan3A_132 = arith.constant 250 : i32
      %scan3A_133 = arith.addi %scan3A_131, %scan3A_132 : i32
      %scan3A_134 = arith.constant 1 : i32
      scf.for %scan3A_248 = %scan3A_131 to %scan3A_133 step %scan3A_134  : i32 {
        %rem3A = arith.constant 4 : i32
        %rem3A_249 = arith.remsi %scan3A_248, %rem3A : i32
        %rem3A_250 = arith.constant 8 : i32
        %rem3A_251 = arith.remsi %scan3A_248, %rem3A_250 : i32
        %ge3A = arith.constant 4 : i32
        %ge3A_252 = arith.cmpi sge, %scan3A_248, %ge3A : i32
        %convert_element_type3A_253 = arith.extui %ge3A_252 : i1 to i32
        %cond3A_254 = arith.constant 0 : i32
        %cond3A_255 = arith.cmpi ne, %convert_element_type3A_253, %cond3A_254 : i32
        scf.if %cond3A_255 {
          %sub3A = arith.constant 4 : i32
          %sub3A_283 = arith.subi %scan3A_248, %sub3A : i32
          %mul3A_284 = arith.constant 80 : i32
          %mul3A_285 = arith.muli %sub3A_283, %mul3A_284 : i32
          %add3A_286 = arith.addi %mul3A_0, %mul3A_285 : i32
          %dma_wait3A_287 = arith.constant 0 : i32
          %dma_wait3A_288 = arith.constant 0 : i32
          %dma_wait3A_289 = tpu.memref_slice %arg7[%rem3A_249, %dma_wait3A_287, %dma_wait3A_288] : memref<4x80x128xf32, #tpu.memory_space<vmem>> -> memref<1x80x128xf32, #tpu.memory_space<vmem>>
          %dma_wait3A_290 = tpu.memref_squeeze %dma_wait3A_289 : memref<1x80x128xf32, #tpu.memory_space<vmem>> -> memref<80x128xf32, #tpu.memory_space<vmem>>
          %dma_wait3A_291 = arith.constant 0 : i32
          %dma_wait3A_292 = tpu.memref_slice %arg6[%add3A_286, %dma_wait3A_291] : memref<320000x128xf32, #tpu.memory_space<hbm>> -> memref<80x128xf32, #tpu.memory_space<hbm>>
          %dma_wait3A_293 = arith.constant 0 : i32
          %dma_wait3A_294 = tpu.memref_slice %arg6[%add3A_286, %dma_wait3A_293] : memref<320000x128xf32, #tpu.memory_space<hbm>> -> memref<80x128xf32, #tpu.memory_space<hbm>>
          %dma_wait3A_295 = arith.constant 0 : i32
          %dma_wait3A_296 = arith.constant 0 : i32
          %dma_wait3A_297 = tpu.memref_slice %arg7[%rem3A_249, %dma_wait3A_295, %dma_wait3A_296] : memref<4x80x128xf32, #tpu.memory_space<vmem>> -> memref<1x80x128xf32, #tpu.memory_space<vmem>>
          %dma_wait3A_298 = tpu.memref_squeeze %dma_wait3A_297 : memref<1x80x128xf32, #tpu.memory_space<vmem>> -> memref<80x128xf32, #tpu.memory_space<vmem>>
          tpu.wait_dma2 semaphore(%arg12 : memref<!tpu.dma_semaphore, #tpu.memory_space<semaphore_mem>>) src(%dma_wait3A_298 : memref<80x128xf32, #tpu.memory_space<vmem>>) dst(%dma_wait3A_294 : memref<80x128xf32, #tpu.memory_space<hbm>>)
        } else {
        }
        %dma_wait3A_256 = arith.constant 0 : i32
        %dma_wait3A_257 = tpu.memref_slice %arg8[%rem3A_251, %dma_wait3A_256] : memref<8x80xi32, #tpu.memory_space<vmem>> -> memref<1x80xi32, #tpu.memory_space<vmem>>
        %dma_wait3A_258 = tpu.memref_squeeze %dma_wait3A_257 : memref<1x80xi32, #tpu.memory_space<vmem>> -> memref<80xi32, #tpu.memory_space<vmem>>
        %dma_wait3A_259 = arith.constant 0 : i32
        %dma_wait3A_260 = tpu.memref_slice %arg4[%arg1, %scan3A_248, %dma_wait3A_259] : memref<16x250x80xi32, #tpu.memory_space<hbm>> -> memref<1x1x80xi32, #tpu.memory_space<hbm>>
        %dma_wait3A_261 = tpu.memref_squeeze %dma_wait3A_260 : memref<1x1x80xi32, #tpu.memory_space<hbm>> -> memref<80xi32, #tpu.memory_space<hbm>>
        %dma_wait3A_262 = arith.constant 0 : i32
        %dma_wait3A_263 = tpu.memref_slice %arg8[%rem3A_251, %dma_wait3A_262] : memref<8x80xi32, #tpu.memory_space<vmem>> -> memref<1x80xi32, #tpu.memory_space<vmem>>
        %dma_wait3A_264 = tpu.memref_squeeze %dma_wait3A_263 : memref<1x80xi32, #tpu.memory_space<vmem>> -> memref<80xi32, #tpu.memory_space<vmem>>
        %dma_wait3A_265 = arith.constant 0 : i32
        %dma_wait3A_266 = tpu.memref_slice %arg4[%arg1, %scan3A_248, %dma_wait3A_265] : memref<16x250x80xi32, #tpu.memory_space<hbm>> -> memref<1x1x80xi32, #tpu.memory_space<hbm>>
        %dma_wait3A_267 = tpu.memref_squeeze %dma_wait3A_266 : memref<1x1x80xi32, #tpu.memory_space<hbm>> -> memref<80xi32, #tpu.memory_space<hbm>>
        tpu.wait_dma2 semaphore(%arg10 : memref<!tpu.dma_semaphore, #tpu.memory_space<semaphore_mem>>) src(%dma_wait3A_267 : memref<80xi32, #tpu.memory_space<hbm>>) dst(%dma_wait3A_264 : memref<80xi32, #tpu.memory_space<vmem>>)
        %dma_start3A_268 = arith.constant 0 : i32
        %dma_start3A_269 = arith.constant 0 : i32
        %dma_start3A_270 = tpu.memref_slice %arg7[%rem3A_249, %dma_start3A_268, %dma_start3A_269] : memref<4x80x128xf32, #tpu.memory_space<vmem>> -> memref<1x80x128xf32, #tpu.memory_space<vmem>>
        %dma_start3A_271 = tpu.memref_squeeze %dma_start3A_270 : memref<1x80x128xf32, #tpu.memory_space<vmem>> -> memref<80x128xf32, #tpu.memory_space<vmem>>
        %dma_start3A_272 = arith.constant 0 : i32
        %dma_start3A_273 = tpu.memref_slice %arg8[%rem3A_251, %dma_start3A_272] : memref<8x80xi32, #tpu.memory_space<vmem>> -> memref<1x80xi32, #tpu.memory_space<vmem>>
        %dma_start3A_274 = tpu.memref_squeeze %dma_start3A_273 : memref<1x80xi32, #tpu.memory_space<vmem>> -> memref<80xi32, #tpu.memory_space<vmem>>
        %dma_start3A_275 = arith.constant 0 : i32
        %dma_start3A_276 = arith.constant 0 : i32
        %dma_start3A_277 = tpu.memref_slice %arg9[%dma_start3A_275, %dma_start3A_276] : memref<10000x128xf32, #tpu.memory_space<vmem_shared>> -> memref<10000x128xf32, #tpu.memory_space<vmem_shared>>
        tpu.enqueue_indirect_dma source(%dma_start3A_277 : memref<10000x128xf32, #tpu.memory_space<vmem_shared>>) target(%dma_start3A_271 : memref<80x128xf32, #tpu.memory_space<vmem>>) offsets(%dma_start3A_274 : memref<80xi32, #tpu.memory_space<vmem>>) semaphore(%arg11 : memref<!tpu.dma_semaphore, #tpu.memory_space<semaphore_mem>>)
        %ge3A_278 = arith.constant 2 : i32
        %ge3A_279 = arith.cmpi sge, %scan3A_248, %ge3A_278 : i32
        %convert_element_type3A_280 = arith.extui %ge3A_279 : i1 to i32
        %cond3A_281 = arith.constant 0 : i32
        %cond3A_282 = arith.cmpi ne, %convert_element_type3A_280, %cond3A_281 : i32
        scf.if %cond3A_282 {
          %sub3A = arith.constant 2 : i32
          %sub3A_283 = arith.subi %scan3A_248, %sub3A : i32
          %rem3A_284 = arith.constant 4 : i32
          %rem3A_285 = arith.remsi %sub3A_283, %rem3A_284 : i32
          %sub3A_286 = arith.constant 2 : i32
          %sub3A_287 = arith.subi %scan3A_248, %sub3A_286 : i32
          %rem3A_288 = arith.constant 8 : i32
          %rem3A_289 = arith.remsi %sub3A_287, %rem3A_288 : i32
          %dma_wait3A_290 = arith.constant 0 : i32
          %dma_wait3A_291 = arith.constant 0 : i32
          %dma_wait3A_292 = tpu.memref_slice %arg7[%rem3A_285, %dma_wait3A_290, %dma_wait3A_291] : memref<4x80x128xf32, #tpu.memory_space<vmem>> -> memref<1x80x128xf32, #tpu.memory_space<vmem>>
          %dma_wait3A_293 = tpu.memref_squeeze %dma_wait3A_292 : memref<1x80x128xf32, #tpu.memory_space<vmem>> -> memref<80x128xf32, #tpu.memory_space<vmem>>
          %dma_wait3A_294 = arith.constant 0 : i32
          %dma_wait3A_295 = tpu.memref_slice %arg8[%rem3A_289, %dma_wait3A_294] : memref<8x80xi32, #tpu.memory_space<vmem>> -> memref<1x80xi32, #tpu.memory_space<vmem>>
          %dma_wait3A_296 = tpu.memref_squeeze %dma_wait3A_295 : memref<1x80xi32, #tpu.memory_space<vmem>> -> memref<80xi32, #tpu.memory_space<vmem>>
          %dma_wait3A_297 = arith.constant 0 : i32
          %dma_wait3A_298 = arith.constant 0 : i32
          %dma_wait3A_299 = tpu.memref_slice %arg9[%dma_wait3A_297, %dma_wait3A_298] : memref<10000x128xf32, #tpu.memory_space<vmem_shared>> -> memref<10000x128xf32, #tpu.memory_space<vmem_shared>>
          tpu.wait_indirect_dma semaphore(%arg11 : memref<!tpu.dma_semaphore, #tpu.memory_space<semaphore_mem>>) src(%dma_wait3A_299 : memref<10000x128xf32, #tpu.memory_space<vmem_shared>>) dst(%dma_wait3A_293 : memref<80x128xf32, #tpu.memory_space<vmem>>)
          %sub3A_300 = arith.constant 2 : i32
          %sub3A_301 = arith.subi %scan3A_248, %sub3A_300 : i32
          %add3A_302 = arith.constant 8 : i32
          %add3A_303 = arith.addi %sub3A_301, %add3A_302 : i32
          %lt3A = arith.constant 250 : i32
          %lt3A_304 = arith.cmpi slt, %add3A_303, %lt3A : i32
          %convert_element_type3A_305 = arith.extui %lt3A_304 : i1 to i32
          %cond3A_306 = arith.constant 0 : i32
          %cond3A_307 = arith.cmpi ne, %convert_element_type3A_305, %cond3A_306 : i32
          scf.if %cond3A_307 {
            %sub3A_325 = arith.constant 2 : i32
            %sub3A_326 = arith.subi %scan3A_248, %sub3A_325 : i32
            %add3A_327 = arith.constant 8 : i32
            %add3A_328 = arith.addi %sub3A_326, %add3A_327 : i32
            %dma_start3A_329 = arith.constant 0 : i32
            %dma_start3A_330 = tpu.memref_slice %arg8[%rem3A_289, %dma_start3A_329] : memref<8x80xi32, #tpu.memory_space<vmem>> -> memref<1x80xi32, #tpu.memory_space<vmem>>
            %dma_start3A_331 = tpu.memref_squeeze %dma_start3A_330 : memref<1x80xi32, #tpu.memory_space<vmem>> -> memref<80xi32, #tpu.memory_space<vmem>>
            %dma_start3A_332 = arith.constant 0 : i32
            %dma_start3A_333 = tpu.memref_slice %arg4[%arg1, %add3A_328, %dma_start3A_332] : memref<16x250x80xi32, #tpu.memory_space<hbm>> -> memref<1x1x80xi32, #tpu.memory_space<hbm>>
            %dma_start3A_334 = tpu.memref_squeeze %dma_start3A_333 : memref<1x1x80xi32, #tpu.memory_space<hbm>> -> memref<80xi32, #tpu.memory_space<hbm>>
            %dma_start3A_335 = arith.constant 0 : i32
            %dma_start3A_336 = tpu.memref_slice %arg8[%rem3A_289, %dma_start3A_335] : memref<8x80xi32, #tpu.memory_space<vmem>> -> memref<1x80xi32, #tpu.memory_space<vmem>>
            %dma_start3A_337 = tpu.memref_squeeze %dma_start3A_336 : memref<1x80xi32, #tpu.memory_space<vmem>> -> memref<80xi32, #tpu.memory_space<vmem>>
            %dma_start3A_338 = arith.constant 0 : i32
            %dma_start3A_339 = tpu.memref_slice %arg4[%arg1, %add3A_328, %dma_start3A_338] : memref<16x250x80xi32, #tpu.memory_space<hbm>> -> memref<1x1x80xi32, #tpu.memory_space<hbm>>
            %dma_start3A_340 = tpu.memref_squeeze %dma_start3A_339 : memref<1x1x80xi32, #tpu.memory_space<hbm>> -> memref<80xi32, #tpu.memory_space<hbm>>
            tpu.enqueue_dma source(%dma_start3A_340 : memref<80xi32, #tpu.memory_space<hbm>>) target(%dma_start3A_337 : memref<80xi32, #tpu.memory_space<vmem>>) target_semaphore(%arg10 : memref<!tpu.dma_semaphore, #tpu.memory_space<semaphore_mem>>)
          } else {
          }
          %sub3A_308 = arith.constant 2 : i32
          %sub3A_309 = arith.subi %scan3A_248, %sub3A_308 : i32
          %mul3A_310 = arith.constant 80 : i32
          %mul3A_311 = arith.muli %sub3A_309, %mul3A_310 : i32
          %add3A_312 = arith.addi %mul3A_0, %mul3A_311 : i32
          %dma_start3A_313 = arith.constant 0 : i32
          %dma_start3A_314 = arith.constant 0 : i32
          %dma_start3A_315 = tpu.memref_slice %arg7[%rem3A_285, %dma_start3A_313, %dma_start3A_314] : memref<4x80x128xf32, #tpu.memory_space<vmem>> -> memref<1x80x128xf32, #tpu.memory_space<vmem>>
          %dma_start3A_316 = tpu.memref_squeeze %dma_start3A_315 : memref<1x80x128xf32, #tpu.memory_space<vmem>> -> memref<80x128xf32, #tpu.memory_space<vmem>>
          %dma_start3A_317 = arith.constant 0 : i32
          %dma_start3A_318 = tpu.memref_slice %arg6[%add3A_312, %dma_start3A_317] : memref<320000x128xf32, #tpu.memory_space<hbm>> -> memref<80x128xf32, #tpu.memory_space<hbm>>
          %dma_start3A_319 = arith.constant 0 : i32
          %dma_start3A_320 = tpu.memref_slice %arg6[%add3A_312, %dma_start3A_319] : memref<320000x128xf32, #tpu.memory_space<hbm>> -> memref<80x128xf32, #tpu.memory_space<hbm>>
          %dma_start3A_321 = arith.constant 0 : i32
          %dma_start3A_322 = arith.constant 0 : i32
          %dma_start3A_323 = tpu.memref_slice %arg7[%rem3A_285, %dma_start3A_321, %dma_start3A_322] : memref<4x80x128xf32, #tpu.memory_space<vmem>> -> memref<1x80x128xf32, #tpu.memory_space<vmem>>
          %dma_start3A_324 = tpu.memref_squeeze %dma_start3A_323 : memref<1x80x128xf32, #tpu.memory_space<vmem>> -> memref<80x128xf32, #tpu.memory_space<vmem>>
          tpu.enqueue_dma source(%dma_start3A_324 : memref<80x128xf32, #tpu.memory_space<vmem>>) target(%dma_start3A_320 : memref<80x128xf32, #tpu.memory_space<hbm>>) target_semaphore(%arg12 : memref<!tpu.dma_semaphore, #tpu.memory_space<semaphore_mem>>)
        } else {
        }
      }
      %scan3A_135 = arith.constant 250 : i32
      %dma_wait3A = arith.constant 0 : i32
      %dma_wait3A_136 = arith.constant 0 : i32
      %dma_wait3A_137 = arith.constant 0 : i32
      %dma_wait3A_138 = arith.constant 0 : i32
      %dma_wait3A_139 = tpu.memref_slice %arg7[%dma_wait3A_136, %dma_wait3A_137, %dma_wait3A_138] : memref<4x80x128xf32, #tpu.memory_space<vmem>> -> memref<1x80x128xf32, #tpu.memory_space<vmem>>
      %dma_wait3A_140 = tpu.memref_squeeze %dma_wait3A_139 : memref<1x80x128xf32, #tpu.memory_space<vmem>> -> memref<80x128xf32, #tpu.memory_space<vmem>>
      %dma_wait3A_141 = arith.constant 0 : i32
      %dma_wait3A_142 = tpu.memref_slice %arg8[%dma_wait3A, %dma_wait3A_141] : memref<8x80xi32, #tpu.memory_space<vmem>> -> memref<1x80xi32, #tpu.memory_space<vmem>>
      %dma_wait3A_143 = tpu.memref_squeeze %dma_wait3A_142 : memref<1x80xi32, #tpu.memory_space<vmem>> -> memref<80xi32, #tpu.memory_space<vmem>>
      %dma_wait3A_144 = arith.constant 0 : i32
      %dma_wait3A_145 = arith.constant 0 : i32
      %dma_wait3A_146 = tpu.memref_slice %arg9[%dma_wait3A_144, %dma_wait3A_145] : memref<10000x128xf32, #tpu.memory_space<vmem_shared>> -> memref<10000x128xf32, #tpu.memory_space<vmem_shared>>
      tpu.wait_indirect_dma semaphore(%arg11 : memref<!tpu.dma_semaphore, #tpu.memory_space<semaphore_mem>>) src(%dma_wait3A_146 : memref<10000x128xf32, #tpu.memory_space<vmem_shared>>) dst(%dma_wait3A_140 : memref<80x128xf32, #tpu.memory_space<vmem>>)
      %add3A = arith.constant 19840 : i32
      %add3A_147 = arith.addi %mul3A_0, %add3A : i32
      %dma_start3A_148 = arith.constant 0 : i32
      %dma_start3A_149 = arith.constant 0 : i32
      %dma_start3A_150 = arith.constant 0 : i32
      %dma_start3A_151 = tpu.memref_slice %arg7[%dma_start3A_148, %dma_start3A_149, %dma_start3A_150] : memref<4x80x128xf32, #tpu.memory_space<vmem>> -> memref<1x80x128xf32, #tpu.memory_space<vmem>>
      %dma_start3A_152 = tpu.memref_squeeze %dma_start3A_151 : memref<1x80x128xf32, #tpu.memory_space<vmem>> -> memref<80x128xf32, #tpu.memory_space<vmem>>
      %dma_start3A_153 = arith.constant 0 : i32
      %dma_start3A_154 = tpu.memref_slice %arg6[%add3A_147, %dma_start3A_153] : memref<320000x128xf32, #tpu.memory_space<hbm>> -> memref<80x128xf32, #tpu.memory_space<hbm>>
      %dma_start3A_155 = arith.constant 0 : i32
      %dma_start3A_156 = tpu.memref_slice %arg6[%add3A_147, %dma_start3A_155] : memref<320000x128xf32, #tpu.memory_space<hbm>> -> memref<80x128xf32, #tpu.memory_space<hbm>>
      %dma_start3A_157 = arith.constant 0 : i32
      %dma_start3A_158 = arith.constant 0 : i32
      %dma_start3A_159 = tpu.memref_slice %arg7[%dma_start3A_148, %dma_start3A_157, %dma_start3A_158] : memref<4x80x128xf32, #tpu.memory_space<vmem>> -> memref<1x80x128xf32, #tpu.memory_space<vmem>>
      %dma_start3A_160 = tpu.memref_squeeze %dma_start3A_159 : memref<1x80x128xf32, #tpu.memory_space<vmem>> -> memref<80x128xf32, #tpu.memory_space<vmem>>
      tpu.enqueue_dma source(%dma_start3A_160 : memref<80x128xf32, #tpu.memory_space<vmem>>) target(%dma_start3A_156 : memref<80x128xf32, #tpu.memory_space<hbm>>) target_semaphore(%arg12 : memref<!tpu.dma_semaphore, #tpu.memory_space<semaphore_mem>>)
      %dma_wait3A_161 = arith.constant 1 : i32
      %dma_wait3A_162 = arith.constant 1 : i32
      %dma_wait3A_163 = arith.constant 0 : i32
      %dma_wait3A_164 = arith.constant 0 : i32
      %dma_wait3A_165 = tpu.memref_slice %arg7[%dma_wait3A_162, %dma_wait3A_163, %dma_wait3A_164] : memref<4x80x128xf32, #tpu.memory_space<vmem>> -> memref<1x80x128xf32, #tpu.memory_space<vmem>>
      %dma_wait3A_166 = tpu.memref_squeeze %dma_wait3A_165 : memref<1x80x128xf32, #tpu.memory_space<vmem>> -> memref<80x128xf32, #tpu.memory_space<vmem>>
      %dma_wait3A_167 = arith.constant 0 : i32
      %dma_wait3A_168 = tpu.memref_slice %arg8[%dma_wait3A_161, %dma_wait3A_167] : memref<8x80xi32, #tpu.memory_space<vmem>> -> memref<1x80xi32, #tpu.memory_space<vmem>>
      %dma_wait3A_169 = tpu.memref_squeeze %dma_wait3A_168 : memref<1x80xi32, #tpu.memory_space<vmem>> -> memref<80xi32, #tpu.memory_space<vmem>>
      %dma_wait3A_170 = arith.constant 0 : i32
      %dma_wait3A_171 = arith.constant 0 : i32
      %dma_wait3A_172 = tpu.memref_slice %arg9[%dma_wait3A_170, %dma_wait3A_171] : memref<10000x128xf32, #tpu.memory_space<vmem_shared>> -> memref<10000x128xf32, #tpu.memory_space<vmem_shared>>
      tpu.wait_indirect_dma semaphore(%arg11 : memref<!tpu.dma_semaphore, #tpu.memory_space<semaphore_mem>>) src(%dma_wait3A_172 : memref<10000x128xf32, #tpu.memory_space<vmem_shared>>) dst(%dma_wait3A_166 : memref<80x128xf32, #tpu.memory_space<vmem>>)
      %add3A_173 = arith.constant 19920 : i32
      %add3A_174 = arith.addi %mul3A_0, %add3A_173 : i32
      %dma_start3A_175 = arith.constant 1 : i32
      %dma_start3A_176 = arith.constant 0 : i32
      %dma_start3A_177 = arith.constant 0 : i32
      %dma_start3A_178 = tpu.memref_slice %arg7[%dma_start3A_175, %dma_start3A_176, %dma_start3A_177] : memref<4x80x128xf32, #tpu.memory_space<vmem>> -> memref<1x80x128xf32, #tpu.memory_space<vmem>>
      %dma_start3A_179 = tpu.memref_squeeze %dma_start3A_178 : memref<1x80x128xf32, #tpu.memory_space<vmem>> -> memref<80x128xf32, #tpu.memory_space<vmem>>
      %dma_start3A_180 = arith.constant 0 : i32
      %dma_start3A_181 = tpu.memref_slice %arg6[%add3A_174, %dma_start3A_180] : memref<320000x128xf32, #tpu.memory_space<hbm>> -> memref<80x128xf32, #tpu.memory_space<hbm>>
      %dma_start3A_182 = arith.constant 0 : i32
      %dma_start3A_183 = tpu.memref_slice %arg6[%add3A_174, %dma_start3A_182] : memref<320000x128xf32, #tpu.memory_space<hbm>> -> memref<80x128xf32, #tpu.memory_space<hbm>>
      %dma_start3A_184 = arith.constant 0 : i32
      %dma_start3A_185 = arith.constant 0 : i32
      %dma_start3A_186 = tpu.memref_slice %arg7[%dma_start3A_175, %dma_start3A_184, %dma_start3A_185] : memref<4x80x128xf32, #tpu.memory_space<vmem>> -> memref<1x80x128xf32, #tpu.memory_space<vmem>>
      %dma_start3A_187 = tpu.memref_squeeze %dma_start3A_186 : memref<1x80x128xf32, #tpu.memory_space<vmem>> -> memref<80x128xf32, #tpu.memory_space<vmem>>
      tpu.enqueue_dma source(%dma_start3A_187 : memref<80x128xf32, #tpu.memory_space<vmem>>) target(%dma_start3A_183 : memref<80x128xf32, #tpu.memory_space<hbm>>) target_semaphore(%arg12 : memref<!tpu.dma_semaphore, #tpu.memory_space<semaphore_mem>>)
      %add3A_188 = arith.constant 19680 : i32
      %add3A_189 = arith.addi %mul3A_0, %add3A_188 : i32
      %dma_wait3A_190 = arith.constant 2 : i32
      %dma_wait3A_191 = arith.constant 0 : i32
      %dma_wait3A_192 = arith.constant 0 : i32
      %dma_wait3A_193 = tpu.memref_slice %arg7[%dma_wait3A_190, %dma_wait3A_191, %dma_wait3A_192] : memref<4x80x128xf32, #tpu.memory_space<vmem>> -> memref<1x80x128xf32, #tpu.memory_space<vmem>>
      %dma_wait3A_194 = tpu.memref_squeeze %dma_wait3A_193 : memref<1x80x128xf32, #tpu.memory_space<vmem>> -> memref<80x128xf32, #tpu.memory_space<vmem>>
      %dma_wait3A_195 = arith.constant 0 : i32
      %dma_wait3A_196 = tpu.memref_slice %arg6[%add3A_189, %dma_wait3A_195] : memref<320000x128xf32, #tpu.memory_space<hbm>> -> memref<80x128xf32, #tpu.memory_space<hbm>>
      %dma_wait3A_197 = arith.constant 0 : i32
      %dma_wait3A_198 = tpu.memref_slice %arg6[%add3A_189, %dma_wait3A_197] : memref<320000x128xf32, #tpu.memory_space<hbm>> -> memref<80x128xf32, #tpu.memory_space<hbm>>
      %dma_wait3A_199 = arith.constant 0 : i32
      %dma_wait3A_200 = arith.constant 0 : i32
      %dma_wait3A_201 = tpu.memref_slice %arg7[%dma_wait3A_190, %dma_wait3A_199, %dma_wait3A_200] : memref<4x80x128xf32, #tpu.memory_space<vmem>> -> memref<1x80x128xf32, #tpu.memory_space<vmem>>
      %dma_wait3A_202 = tpu.memref_squeeze %dma_wait3A_201 : memref<1x80x128xf32, #tpu.memory_space<vmem>> -> memref<80x128xf32, #tpu.memory_space<vmem>>
      tpu.wait_dma2 semaphore(%arg12 : memref<!tpu.dma_semaphore, #tpu.memory_space<semaphore_mem>>) src(%dma_wait3A_202 : memref<80x128xf32, #tpu.memory_space<vmem>>) dst(%dma_wait3A_198 : memref<80x128xf32, #tpu.memory_space<hbm>>)
      %add3A_203 = arith.constant 19760 : i32
      %add3A_204 = arith.addi %mul3A_0, %add3A_203 : i32
      %dma_wait3A_205 = arith.constant 3 : i32
      %dma_wait3A_206 = arith.constant 0 : i32
      %dma_wait3A_207 = arith.constant 0 : i32
      %dma_wait3A_208 = tpu.memref_slice %arg7[%dma_wait3A_205, %dma_wait3A_206, %dma_wait3A_207] : memref<4x80x128xf32, #tpu.memory_space<vmem>> -> memref<1x80x128xf32, #tpu.memory_space<vmem>>
      %dma_wait3A_209 = tpu.memref_squeeze %dma_wait3A_208 : memref<1x80x128xf32, #tpu.memory_space<vmem>> -> memref<80x128xf32, #tpu.memory_space<vmem>>
      %dma_wait3A_210 = arith.constant 0 : i32
      %dma_wait3A_211 = tpu.memref_slice %arg6[%add3A_204, %dma_wait3A_210] : memref<320000x128xf32, #tpu.memory_space<hbm>> -> memref<80x128xf32, #tpu.memory_space<hbm>>
      %dma_wait3A_212 = arith.constant 0 : i32
      %dma_wait3A_213 = tpu.memref_slice %arg6[%add3A_204, %dma_wait3A_212] : memref<320000x128xf32, #tpu.memory_space<hbm>> -> memref<80x128xf32, #tpu.memory_space<hbm>>
      %dma_wait3A_214 = arith.constant 0 : i32
      %dma_wait3A_215 = arith.constant 0 : i32
      %dma_wait3A_216 = tpu.memref_slice %arg7[%dma_wait3A_205, %dma_wait3A_214, %dma_wait3A_215] : memref<4x80x128xf32, #tpu.memory_space<vmem>> -> memref<1x80x128xf32, #tpu.memory_space<vmem>>
      %dma_wait3A_217 = tpu.memref_squeeze %dma_wait3A_216 : memref<1x80x128xf32, #tpu.memory_space<vmem>> -> memref<80x128xf32, #tpu.memory_space<vmem>>
      tpu.wait_dma2 semaphore(%arg12 : memref<!tpu.dma_semaphore, #tpu.memory_space<semaphore_mem>>) src(%dma_wait3A_217 : memref<80x128xf32, #tpu.memory_space<vmem>>) dst(%dma_wait3A_213 : memref<80x128xf32, #tpu.memory_space<hbm>>)
      %add3A_218 = arith.constant 19840 : i32
      %add3A_219 = arith.addi %mul3A_0, %add3A_218 : i32
      %dma_wait3A_220 = arith.constant 0 : i32
      %dma_wait3A_221 = arith.constant 0 : i32
      %dma_wait3A_222 = arith.constant 0 : i32
      %dma_wait3A_223 = tpu.memref_slice %arg7[%dma_wait3A_220, %dma_wait3A_221, %dma_wait3A_222] : memref<4x80x128xf32, #tpu.memory_space<vmem>> -> memref<1x80x128xf32, #tpu.memory_space<vmem>>
      %dma_wait3A_224 = tpu.memref_squeeze %dma_wait3A_223 : memref<1x80x128xf32, #tpu.memory_space<vmem>> -> memref<80x128xf32, #tpu.memory_space<vmem>>
      %dma_wait3A_225 = arith.constant 0 : i32
      %dma_wait3A_226 = tpu.memref_slice %arg6[%add3A_219, %dma_wait3A_225] : memref<320000x128xf32, #tpu.memory_space<hbm>> -> memref<80x128xf32, #tpu.memory_space<hbm>>
      %dma_wait3A_227 = arith.constant 0 : i32
      %dma_wait3A_228 = tpu.memref_slice %arg6[%add3A_219, %dma_wait3A_227] : memref<320000x128xf32, #tpu.memory_space<hbm>> -> memref<80x128xf32, #tpu.memory_space<hbm>>
      %dma_wait3A_229 = arith.constant 0 : i32
      %dma_wait3A_230 = arith.constant 0 : i32
      %dma_wait3A_231 = tpu.memref_slice %arg7[%dma_wait3A_220, %dma_wait3A_229, %dma_wait3A_230] : memref<4x80x128xf32, #tpu.memory_space<vmem>> -> memref<1x80x128xf32, #tpu.memory_space<vmem>>
      %dma_wait3A_232 = tpu.memref_squeeze %dma_wait3A_231 : memref<1x80x128xf32, #tpu.memory_space<vmem>> -> memref<80x128xf32, #tpu.memory_space<vmem>>
      tpu.wait_dma2 semaphore(%arg12 : memref<!tpu.dma_semaphore, #tpu.memory_space<semaphore_mem>>) src(%dma_wait3A_232 : memref<80x128xf32, #tpu.memory_space<vmem>>) dst(%dma_wait3A_228 : memref<80x128xf32, #tpu.memory_space<hbm>>)
      %add3A_233 = arith.constant 19920 : i32
      %add3A_234 = arith.addi %mul3A_0, %add3A_233 : i32
      %dma_wait3A_235 = arith.constant 1 : i32
      %dma_wait3A_236 = arith.constant 0 : i32
      %dma_wait3A_237 = arith.constant 0 : i32
      %dma_wait3A_238 = tpu.memref_slice %arg7[%dma_wait3A_235, %dma_wait3A_236, %dma_wait3A_237] : memref<4x80x128xf32, #tpu.memory_space<vmem>> -> memref<1x80x128xf32, #tpu.memory_space<vmem>>
      %dma_wait3A_239 = tpu.memref_squeeze %dma_wait3A_238 : memref<1x80x128xf32, #tpu.memory_space<vmem>> -> memref<80x128xf32, #tpu.memory_space<vmem>>
      %dma_wait3A_240 = arith.constant 0 : i32
      %dma_wait3A_241 = tpu.memref_slice %arg6[%add3A_234, %dma_wait3A_240] : memref<320000x128xf32, #tpu.memory_space<hbm>> -> memref<80x128xf32, #tpu.memory_space<hbm>>
      %dma_wait3A_242 = arith.constant 0 : i32
      %dma_wait3A_243 = tpu.memref_slice %arg6[%add3A_234, %dma_wait3A_242] : memref<320000x128xf32, #tpu.memory_space<hbm>> -> memref<80x128xf32, #tpu.memory_space<hbm>>
      %dma_wait3A_244 = arith.constant 0 : i32
      %dma_wait3A_245 = arith.constant 0 : i32
      %dma_wait3A_246 = tpu.memref_slice %arg7[%dma_wait3A_235, %dma_wait3A_244, %dma_wait3A_245] : memref<4x80x128xf32, #tpu.memory_space<vmem>> -> memref<1x80x128xf32, #tpu.memory_space<vmem>>
      %dma_wait3A_247 = tpu.memref_squeeze %dma_wait3A_246 : memref<1x80x128xf32, #tpu.memory_space<vmem>> -> memref<80x128xf32, #tpu.memory_space<vmem>>
      tpu.wait_dma2 semaphore(%arg12 : memref<!tpu.dma_semaphore, #tpu.memory_space<semaphore_mem>>) src(%dma_wait3A_247 : memref<80x128xf32, #tpu.memory_space<vmem>>) dst(%dma_wait3A_243 : memref<80x128xf32, #tpu.memory_space<hbm>>)
    } else {
    }
    return
  }
}

</mosaic_0001>

<sc_bundles>
// kernel: kernel.3.cloned.1.call-start
scs
__scs_entry_jumppad:
0x0: {  	(pc) =	sbr.rel $0x88, $3  }
0x1: {  	(tag) =	ssettag $0x0;
	lr =	simm.s32 $0x1  }
0x2: {  	[smem:$0x3F9E] =	sst lr;
	_ =	strace $0xD0000000  }
0x3: {  	_ = 	snop  }
0x4: {  	_ = 	snop  }
0x5: {  	_ = 	snop  }
0x6: {  	_ = 	snop  }
0x7: {  	_ = 	snop  }
__scs_overlays_trampoline_lowered:
0x8: {  	[smem:$0x3FAD] =	sst s0  }
0x9: {  	[smem:$0x3FAE] =	sst s1  }
0xa: {  	[smem:$0x3FAF] =	sst s2  }
0xb: {  	[smem:$0x3FB0] =	sst s3  }
0xc: {  	[smem:$0x3FB1] =	sst s4  }
0xd: {  	[smem:$0x3FB2] =	sst s5  }
0xe: {  	[smem:$0x3FB3] =	sst s6  }
0xf: {  	[smem:$0x3FB4] =	sst s7  }
0x10: {  	[smem:$0x3FB5] =	sst s8  }
0x11: {  	[smem:$0x3FB6] =	sst s9;
	s0 =	simm.s32 @!p0 $0x0  }
0x12: {  	s1 =	sld [smem:$0x3F9C];
	s0 =	simm.s32 @p0 $0x1  }
0x13: {  	[smem:$0x3FB7] =	sst s0;
	s0 =	simm.s32 @!p1 $0x0  }
0x14: {  	s2 =	sld [smem:$0x3F9B];
	s0 =	simm.s32 @p1 $0x1  }
0x15: {  	[smem:$0x3FB8] =	sst s0;
	s0 =	simm.s32 @!p2 $0x0  }
0x16: {  	s3 =	sld [smem:$0x3FDB];
	s0 =	simm.s32 @p2 $0x1  }
0x17: {  	s4 =	simm.s32 $0x1BF5;
	[smem:$0x3FBA] =	sst s0  }
0x18: {  	s0 =	sld [smem:$0x3F9D];
	_ =	swait.ge [sflag:s4], $0x0  }
0x19: {  	s7 =	sld [smem:$0x3F9E]  }
0x1a: {  	s8 =	sadd.s32 $0xFFFFE003, lr  }
0x1b: {  	s9 =	sadd.s32 $0xFFFFFEF7, lr;
	s5 =	simm.s32 $0xFFFFFFFF;
	p2 =	slt.u32 s8, $0xFFFFF086  }
0x1c: {  	p1 =	slt.u32 s9, $0xF7A;
	s5 =	simm.s32 @!p2 $0x0  }
0x1d: {  	s5 =	simm.s32 @p1 $0x1;
	p0 =	seq.s32 s7, s2  }
0x1e: {  	s7 =	smul.u32 @!p0 $0xF7A, s2;
	p2 =	seq.s32 @!p0 s5, $0x0  }
0x1f: {  	s9 =	smul.u32 $0xF7A, s1;
	s8 =	simm.s32 @!p0 $0x1BF5;
	p2 =	por !p2, p0  }
0x20: {  	[sflag:s8] =	ssyncset.s32 @!p0 $0xFFFFF086;
	s6 =	sadd.s32 @!p0 s3, s7;
	s7 =	simm.s32 @!p0 $0x108  }
0x21: {  	s3 =	sadd.s32 s3, s9;
	s6 =	sadd.s32 @!p0 $0x88, s6;
	s7 =	simm.s32 @p2 $0x1082  }
0x22: {  	[simem:s7], [sflag:s8] =	dma.local @!p0 [hbm:s6], $0xF7A  }
0x23: {  	s9 =	sor.u32 $0xD0000000, s2;
	s6 =	simm.s32 $0x108;
	_ =	swait.ge @!p0 [sflag:s8], $0x0  }
0x24: {  	s3 =	sadd.s32 $0x88, s3;
	s6 =	simm.s32 @!p1 $0x1082;
	[sflag:s4] =	ssyncset.s32 $0xFFFFF086  }
0x25: {  	[simem:s6], [sflag:s4] =	dma.local [hbm:s3], $0xF7A  }
0x26: {  	[smem:$0x3F9E] =	sst s1;
	(tag) =	ssettag s2;
	_ =	strace s9  }
0x27: {  	s1 =	sld [smem:$0x3FAE]  }
0x28: {  	s2 =	sld [smem:$0x3FAF]  }
0x29: {  	s4 =	sld [smem:$0x3FB1]  }
0x2a: {  	p0 =	seq.s32 s5, $0x0;
	s5 =	sld [smem:$0x3FB2]  }
0x2b: {  	s6 =	sld [smem:$0x3FB3]  }
0x2c: {  	s7 =	sld [smem:$0x3FB4]  }
0x2d: {  	s3 =	simm.s32 $0x108;
	s8 =	sld [smem:$0x3FB5]  }
0x2e: {  	s3 =	simm.s32 @!p0 $0x1082;
	s9 =	sld [smem:$0x3FB6]  }
0x2f: {  	lr =	sadd.s32 s0, s3;
	s0 =	sld [smem:$0x3FAD]  }
0x30: {  	s3 =	sld [smem:$0x3FB0]  }
0x31: {  	[smem:$0x3FB9] =	sst s10  }
0x32: {  	s10 =	sld [smem:$0x3FB7];
	_ =	sdelay $0x3  }
0x33: {  	p0 =	seq.s32 s10, $0x1;
	s10 =	sld [smem:$0x3FB9];
	_ =	sdelay $0x3  }
0x34: {  	[smem:$0x3FB9] =	sst s10  }
0x35: {  	s10 =	sld [smem:$0x3FB8];
	_ =	sdelay $0x3  }
0x36: {  	p1 =	seq.s32 s10, $0x1;
	s10 =	sld [smem:$0x3FB9];
	_ =	sdelay $0x3  }
0x37: {  	[smem:$0x3FB9] =	sst s10  }
0x38: {  	s10 =	sld [smem:$0x3FBA]  }
0x39: {  	_ = 	snop;
	(pc) =	sbr.ind lr, $3  }
0x3a: {  	_ = 	snop  }
0x3b: {  	_ = 	snop  }
0x3c: {  	p2 =	seq.s32 s10, $0x1;
	s10 =	sld [smem:$0x3FB9]  }
0x3d: {  	_ =	shalt  }
0x3e: {  	_ =	shalt  }
0x3f: {  	_ =	shalt  }
0x40: {  	_ =	shalt  }
0x41: {  	_ =	shalt  }
0x42: {  	_ =	shalt  }
0x43: {  	_ =	shalt  }
0x44: {  	_ =	shalt  }
0x45: {  	_ =	shalt  }
0x46: {  	_ =	shalt  }
0x47: {  	_ =	shalt  }
0x48: {  	_ =	shalt  }
0x49: {  	_ =	shalt  }
0x4a: {  	_ =	shalt  }
0x4b: {  	_ =	shalt  }
0x4c: {  	_ =	shalt  }
0x4d: {  	_ =	shalt  }
0x4e: {  	_ =	shalt  }
0x4f: {  	_ =	shalt  }
0x50: {  	_ =	shalt  }
0x51: {  	_ =	shalt  }
0x52: {  	_ =	shalt  }
0x53: {  	_ =	shalt  }
0x54: {  	_ =	shalt  }
0x55: {  	_ =	shalt  }
0x56: {  	_ =	shalt  }
0x57: {  	_ =	shalt  }
0x58: {  	_ =	shalt  }
0x59: {  	_ =	shalt  }
0x5a: {  	_ =	shalt  }
0x5b: {  	_ =	shalt  }
0x5c: {  	_ =	shalt  }
0x5d: {  	_ =	shalt  }
0x5e: {  	_ =	shalt  }
0x5f: {  	_ =	shalt  }
0x60: {  	_ =	shalt  }
0x61: {  	_ =	shalt  }
0x62: {  	_ =	shalt  }
0x63: {  	_ =	shalt  }
0x64: {  	_ =	shalt  }
0x65: {  	_ =	shalt  }
0x66: {  	_ =	shalt  }
0x67: {  	_ =	shalt  }
0x68: {  	_ =	shalt  }
0x69: {  	_ =	shalt  }
0x6a: {  	_ =	shalt  }
0x6b: {  	_ =	shalt  }
0x6c: {  	_ =	shalt  }
0x6d: {  	_ =	shalt  }
0x6e: {  	_ =	shalt  }
0x6f: {  	_ =	shalt  }
0x70: {  	_ =	shalt  }
0x71: {  	_ =	shalt  }
0x72: {  	_ =	shalt  }
0x73: {  	_ =	shalt  }
0x74: {  	_ =	shalt  }
0x75: {  	_ =	shalt  }
0x76: {  	_ =	shalt  }
0x77: {  	_ =	shalt  }
0x78: {  	_ =	shalt  }
0x79: {  	_ =	shalt  }
0x7a: {  	_ =	shalt  }
0x7b: {  	_ =	shalt  }
0x7c: {  	_ =	shalt  }
0x7d: {  	_ =	shalt  }
0x7e: {  	_ =	shalt  }
0x7f: {  	_ =	shalt  }
0x80: {  	_ =	shalt  }
0x81: {  	_ =	shalt  }
0x82: {  	_ =	shalt  }
0x83: {  	_ =	shalt  }
0x84: {  	_ =	shalt  }
0x85: {  	_ =	shalt  }
0x86: {  	_ =	shalt  }
0x87: {  	_ =	shalt  }
.Lfunc_end0:
.L_simem_size_0:
called_computation_lowered:
.L_overlay_start_0:
0x88: {  	s2 =	sld [smem:$0x3FD9]  }
0x89: {  	s3 =	sld [smem:$0x3FFE];
	_ =	sdelay $0x1  }
0x8a: {  	s1 =	srdreg.scid  }
0x8b: {  	s0 =	sand.u32 $0x1, s1  }
0x8c: {  	s14 =	sshll.u32 s0, $0xA;
	s2 =	sadd.s32 s3, s2  }
0x8d: {  	s2 =	sadd.s32 s2, s14  }
0x8e: {  	[smem:$0x3FC5] =	sst s2  }
0x8f: {  	_ = 	snop  }
0x90: {  	s2 =	sld [smem:$0x3FD0];
	_ =	sdelay $0x1  }
0x91: {  	s15 =	sld [smem:$0x3FC9]  }
0x92: {  	s5 =	simm.s32 $0xA;
	s6 =	simm.s32 $0x10;
	s4 =	sld [smem:$0x3FC8]  }
0x93: {  	[smem:s6], [sflag:s5] =	dma.local [hbm:s2], $0x1  }
0x94: {  	_ =	swait.eq [sflag:s5], $0x1  }
0x95: {  	[sflag:s5] =	ssyncset.done $0x0  }
0x96: {  	s16 =	sld [smem:$0x10];
	[sflag:s5] =	ssyncadd.s32 $0xFFFFFFFF  }
0x97: {  	s17 =	sld [smem:$0x11];
	(tm) =	ssettm $0x1  }
0x98: {  	s18 =	sld [smem:$0x3FFB];
	_ =	sdelay $0x3  }
0x99: {  	_ =	strace s18  }
0x9a: {  	s6 =	sld [smem:$0x3FFC];
	_ =	sdelay $0x3  }
0x9b: {  	_ =	strace s6  }
0x9c: {  	s6 =	sld [smem:$0x3FFD];
	_ =	sdelay $0x3  }
0x9d: {  	_ =	strace s6  }
0x9e: {  	_ =	strace $0x8FFFFFFF  }
0x9f: {  	s19 =	sld [smem:$0x3FDB];
	_ =	sdelay $0x1  }
0xa0: {  	s7 =	simm.s32 $_scs_section_size  }
0xa1: {  	s8 =	simm.s32 $_size__tile_overlayer_lowered;
	s9 =	simm.s32 $_tile_overlayer_lowered  }
0xa2: {  	s22 =	simm.s32 $0x1BFF;
	s21 =	sshll.u32 s9, $0x1;
	s6 =	sadd.s32 s7, s19  }
0xa3: {  	s10 =	simm.s32 $0x0;
	s20 =	sshll.u32 s8, $0x1;
	s8 =	sadd.s32 s21, s6  }
0xa4: {  	[timem:s10], [sflag:s22] =	dma.local [hbm:s8], s20  }
0xa5: {  	_ =	swait.ge [sflag:s22], s20  }
0xa6: {  	s7 =	ssub.s32 $0x0, s20;
	[sflag:s22] =	ssyncset.done $0x0  }
0xa7: {  	[sflag:s22] =	ssyncadd.s32 s7;
	_ =	sdelay $0x1  }
0xa8: {  	s23 =	simm.s32 $0x1B8B  }
0xa9: {  	_ =	swait.ge [sflag:s23], $0x1  }
0xaa: {  	[sflag:s23] =	ssyncset.done $0x0  }
0xab: {  	s25 =	simm.s32 $0x1B8E;
	s24 =	sld [smem:$0x3FFE];
	[sflag:s23] =	ssyncadd.s32 $0xFFFFFFFF  }
0xac: {  	s26 =	simm.s32 $execute0_lowered;
	[smem:$0x3FD2] =	sst s25  }
0xad: {  	s8 =	sshll.u32 s26, $0x1;
	_ =	strace $0x80000046;
	[dreg:$0x1] =	wrdreg $0xFFFFFFFF  }
0xae: {  	s28 =	simm.s32 $_size_execute0_lowered;
	s6 =	sadd.s32 s6, s8;
	[dreg:$0x0] =	wrdreg $0x0  }
0xaf: {  	s8 =	sshll.u32 s28, $0x1;
	[dreg:$0x2] =	wrdreg s6  }
0xb0: {  	[dreg:$0x3] =	wrdreg s8  }
0xb1: {  	[dreg:$0x4] =	wrdreg $0xC0  }
0xb2: {  	_ =	task [dreg:s10], $0x5FFFF  }
0xb3: {  	[dreg:$0x1] =	wrdreg $0xFFFFFFFF  }
0xb4: {  	[dreg:$0x0] =	wrdreg $0x60  }
0xb5: {  	[dreg:$0x2] =	wrdreg s15  }
0xb6: {  	[dreg:$0x3] =	wrdreg s4  }
0xb7: {  	[dreg:$0x4] =	wrdreg s24  }
0xb8: {  	[dreg:$0x5] =	wrdreg s16  }
0xb9: {  	[dreg:$0x6] =	wrdreg s17  }
0xba: {  	[dreg:$0x7] =	wrdreg $0xA4000  }
0xbb: {  	[dreg:$0x8] =	wrdreg $0x9  }
0xbc: {  	_ =	task.clear_ibuf [dreg:s10], $0x9FFFF;
	_ =	strace $0x90000046  }
0xbd: {  	s29 =	simm.s32 $0x9;
	_ =	strace $0x80000048  }
0xbe: {  	_ =	swait.ge [sflag:s29], $0x1  }
0xbf: {  	[sflag:s29] =	ssyncadd.s32 $0xFFFFFFFF  }
0xc0: {  	_ =	strace $0x90000048  }
0xc1: {  	_ =	sfence  }
0xc2: {  	s30 =	sld [smem:$0x0];
	_ =	sdelay $0x2  }
0xc3: {  	s31 =	sshll.u32 s1, $0xD;
	s1 =	sshrl.u32 s1, $0x2  }
0xc4: {  	s3 =	sand.u32 $0x4000, s31;
	s1 =	sadd.s32 s1, s30  }
0xc5: {  	s0 =	sor.u32 s3, s0;
	s1 =	sshll.u32 s1, $0x11  }
0xc6: {  	s0 =	sor.u32 s1, s0  }
0xc7: {  	s0 =	sadd.s32 $0x8F2B, s0  }
0xc8: {  	[sflag:s0] =	ssyncadd.remote.s32 $0x1  }
0xc9: {  	_ =	sfence.sel $0xFFFF  }
0xca: {  	[dreg:$0x0] =	wrdreg $0xFFFFFFFF;
	(pc) =	sbr.abs _section_cstart, $3  }
0xcb: {  	[dreg:$0x1] =	wrdreg $0xFFFFFFFF  }
0xcc: {  	_ =	task.clear_ibuf [dreg:s10], $0x2FFFF;
	_ =	strace $0x9FFFFFFF  }
0xcd: {  	(tm) =	ssettm $0x7FFFFFFF  }
tec
execute0_lowered:
.L_overlay_start_1:
0x0: {  	(tag) =	ssettag $0x1  }
0x1: {  	s0 =	rddreg [dreg:$0x0]  }
0x2: {  	s1 =	rddreg [dreg:$0x1]  }
0x3: {  	s2 =	rddreg [dreg:$0x2]  }
0x4: {  	s10 =	rddreg [dreg:$0x3]  }
0x5: {  	s11 =	rddreg [dreg:$0x4];
	s12 =	stileid.u32  }
0x6: {  	s3 =	rddreg [dreg:$0x5];
	s4 =	simm.s32 $0x0;
	s7 =	smul.u32 $0x4E000, s12  }
0x7: {  	s5 =	srdreg.scid;
	s28 =	simm.s32 $0x2;
	s19 =	smul.u32 $0x2700, s12  }
0x8: {  	s31 =	simm.s32 $0x3;
	[smem:$0x7FF] =	sst s4;
	s13 =	smul.u32 $0x271000, s12  }
0x9: {  	s5 =	sand.u32 $0x1, s5;
	s8 =	sshll.u32 s12, $0xC;
	s20 =	smul.u32 $0x4E200, s12  }
0xa: {  	p1 =	sne.s32 s12, $0x0;
	s29 =	sadd.s32 $0x138000, s3;
	_ =	strace $0x80000047  }
0xb: {  	s6 =	ssub.s32 $0x2, s5;
	s2 =	sadd.s32 s8, s2;
	p0 =	sne.s32 s5, $0x0  }
0xc: {  	s5 =	simm.s32 $0x1;
	s9 =	sshrl.u32 s6, $0x1;
	s7 =	sshrl.u32 s7, $0x2  }
0xd: {  	s30 =	sadd.s32 s1, s19;
	s1 =	sadd.s32 $0x27000, s1;
	s8 =	sadd.s32 $0x210, s2  }
0xe: {  	s16 =	sadd.s32 $0x220, s2;
	s17 =	sadd.s32 $0x230, s2;
	[dreg:$0x8] =	wrdreg s30  }
0xf: {  	s18 =	sadd.s32 $0x240, s2;
	s14 =	sadd.s32 $0x250, s2;
	[dreg:$0x9] =	wrdreg s1  }
0x10: {  	s15 =	sadd.s32 $0x260, s2;
	s19 =	sadd.s32 s0, s19;
	[dreg:$0xa] =	wrdreg s8  }
0x11: {  	s0 =	sadd.s32 $0x27000, s0;
	s22 =	sadd.s32 $0x280, s2;
	[dreg:$0xb] =	wrdreg s16  }
0x12: {  	s23 =	sadd.s32 s11, s20;
	s24 =	sadd.s32 $0x290, s2;
	[dreg:$0xc] =	wrdreg s17  }
0x13: {  	s25 =	sadd.s32 $0x500, s20;
	s6 =	ssub.s32 s6, s9;
	[dreg:$0xd] =	wrdreg s18  }
0x14: {  	s7 =	sadd.s32 s7, s3;
	s9 =	sadd.s32 $0x200, s2;
	[dreg:$0xe] =	wrdreg s19  }
0x15: {  	s1 =	sshrl.u32 s13, $0x3;
	s16 =	sadd.s32 $0x270, s2;
	[dreg:$0xf] =	wrdreg s0  }
0x16: {  	s0 =	sadd.s32 s10, s20;
	s26 =	sadd.s32 s11, s25;
	[dreg:$0x10] =	wrdreg s23  }
0x17: {  	s30 =	sadd.s32 $0xA00, s23;
	s2 =	simm.s32 $0xA080;
	s8 =	simm.s32 $0xA180  }
0x18: {  	s19 =	simm.s32 $0x50;
	s20 =	simm.s32 $0x2800;
	[dreg:$0x7] =	wrdreg s7  }
.Ltmp0:
0x19: {  	s17 =	sadd.s32 $0x4D800, s1;
	[dreg:$0x12] =	wrdreg s26;
	(pc) =	sbr.rel .LBB2_1-.Ltmp0, $4  }
0x1a: {  	s18 =	sadd.s32 $0x4DD00, s1;
	s21 =	smax.u32 s6, $0x1;
	[dreg:$0x14] =	wrdreg s30  }
0x1b: {  	s1 =	sadd.s32 s10, s25;
	[dreg:$0x11] =	wrdreg s0;
	s0 =	sadd.s32 $0xA00, s0  }
0x1c: {  	s7 =	simm.s32 $0xA100;
	s26 =	simm.s32 $0x0;
	[dreg:$0x13] =	wrdreg s1  }
0x1d: {  	[dreg:$0x15] =	wrdreg s0;
	s0 =	simm.s32 $0x4;
	s1 =	simm.s32 $0xA000  }
.LBB2_7:
0x1e: {  	s6 =	rddreg [dreg:$0x4]  }
.LBB2_8:
0x1f: {  	_ =	swait.ge [sflag:s28], $0x2800  }
0x20: {  	[sflag:s28] =	ssyncset.done $0x0  }
0x21: {  	s10 =	sadd.s32 s6, s17;
	[sflag:s28] =	ssyncadd.s32 $0xFFFFD800  }
0x22: {  	[hbm4b:s10+s4] =	stream.linear.scatter [tilespmem:s4], [sflag:$0x3], $0x2800, $0x38;
	[tilespmem:$0x1DC80] =	vst v63  }
0x23: {  	_ =	swait.ge [sflag:s28], $0x2800  }
0x24: {  	[sflag:s28] =	ssyncset.done $0x0  }
0x25: {  	s30 =	sadd.s32 s6, s18;
	[sflag:s28] =	ssyncadd.s32 $0xFFFFD800  }
0x26: {  	[hbm4b:s30+s4] =	stream.linear.scatter [tilespmem:s20], [sflag:$0x3], $0x2800, $0x38;
	[tilespmem:$0x1DC80] =	vst v63  }
0x27: {  	_ =	swait.ge [sflag:s31], $0x2800  }
0x28: {  	[sflag:s31] =	ssyncset.done $0x0  }
0x29: {  	[sflag:s31] =	ssyncadd.s32 $0xFFFFD800  }
0x2a: {  	_ =	swait.ge [sflag:s31], $0x2800  }
0x2b: {  	[sflag:s31] =	ssyncset.done $0x0  }
0x2c: {  	s26 =	sadd.s32 $0x1, s26;
	[sflag:s31] =	ssyncadd.s32 $0xFFFFD800  }
0x2d: {  	p2 =	sne.s32 s26, s21;
	_ =	swait.ge [sflag:s31], $0x2800  }
.Ltmp1:
0x2e: {  	[sflag:s31] =	ssyncset.done $0x0;
	(pc) =	sbr.rel @!p2 .LBB2_9-.Ltmp1, $4  }
0x2f: {  	[sflag:s31] =	ssyncadd.s32 $0xFFFFD800  }
0x30: {  	_ =	swait.ge [sflag:s31], $0x2800  }
0x31: {  	[sflag:s31] =	ssyncset.done $0x0  }
0x32: {  	[sflag:s31] =	ssyncadd.s32 $0xFFFFD800  }
.LBB2_1:
.Ltmp2:
0x33: {  	(pc) =	sbr.rel @p0 .LBB2_5-.Ltmp2, $4  }
0x34: {  	_ = 	snop  }
0x35: {  	s6 =	stileid.u32  }
0x36: {  	s30 =	rddreg [dreg:$0x7];
	s23 =	sshll.u32 s6, $0x6  }
0x37: {  	s25 =	sshrl.u32 s30, $0x3;
	s6 =	sshrl.u32 @!p1 s29, $0x3;
	s23 =	sor.u32 $0x1C04, s23  }
0x38: {  	s10 =	rddreg [dreg:$0xe]  }
0x39: {  	[spmem:s25], [sflag:s23] =	dma.local [hbm:s10], $0x2700  }
0x3a: {  	_ =	swait.ge [sflag:s0], $0x2700  }
0x3b: {  	[sflag:s0] =	ssyncset.done $0x0  }
0x3c: {  	s10 =	rddreg [dreg:$0xf];
	[sflag:s0] =	ssyncadd.s32 $0xFFFFD900  }
0x3d: {  	[spmem:s6], [sflag:s23] =	dma.local @!p1 [hbm:s10], $0x100  }
0x3e: {  	s6 =	simm.s32 @!p1 $0x4  }
0x3f: {  	_ =	swait.ge @!p1 [sflag:s6], $0x100  }
0x40: {  	[sflag:s6] =	ssyncset.done @!p1 $0x0  }
0x41: {  	[sflag:s6] =	ssyncadd.s32 @!p1 $0xFFFFFF00  }
0x42: {  	[bflag:$0x0] =	sbarrier.arrive $0xFFFF  }
0x43: {  	[tilespmem:s1], [sflag:$0x1] =	stream.linear.gather [hbm4b:s9+s4], $0x80, $0x38;
	[tilespmem:$0x1DC80] =	vst v63  }
0x44: {  	s10 =	rddreg [dreg:$0xa]  }
0x45: {  	[tilespmem:s2], [sflag:$0x1] =	stream.linear.gather [hbm4b:s10+s4], $0x80, $0x38;
	[tilespmem:$0x1DC80] =	vst v63  }
0x46: {  	s11 =	rddreg [dreg:$0xb]  }
0x47: {  	[tilespmem:s7], [sflag:$0x1] =	stream.linear.gather [hbm4b:s11+s4], $0x80, $0x38;
	[tilespmem:$0x1DC80] =	vst v63  }
0x48: {  	s12 =	rddreg [dreg:$0xc]  }
0x49: {  	[tilespmem:s8], [sflag:$0x1] =	stream.linear.gather [hbm4b:s12+s4], $0x80, $0x38;
	[tilespmem:$0x1DC80] =	vst v63  }
0x4a: {  	s23 =	simm.s32 $0xA200;
	s13 =	rddreg [dreg:$0xd]  }
0x4b: {  	[tilespmem:s23], [sflag:$0x1] =	stream.linear.gather [hbm4b:s13+s4], $0x80, $0x38;
	[tilespmem:$0x1DC80] =	vst v63  }
0x4c: {  	s25 =	simm.s32 $0xA280  }
0x4d: {  	[tilespmem:s25], [sflag:$0x1] =	stream.linear.gather [hbm4b:s14+s4], $0x80, $0x38;
	[tilespmem:$0x1DC80] =	vst v63  }
0x4e: {  	s10 =	simm.s32 $0xA300  }
0x4f: {  	[tilespmem:s10], [sflag:$0x1] =	stream.linear.gather [hbm4b:s15+s4], $0x80, $0x38;
	[tilespmem:$0x1DC80] =	vst v63  }
0x50: {  	s11 =	simm.s32 $0xA380  }
0x51: {  	[tilespmem:s11], [sflag:$0x1] =	stream.linear.gather [hbm4b:s16+s4], $0x80, $0x38;
	[tilespmem:$0x1DC80] =	vst v63  }
0x52: {  	_ =	swait.ge [sflag:s5], $0x80  }
0x53: {  	[sflag:s5] =	ssyncset.done $0x0  }
0x54: {  	[sflag:s5] =	ssyncadd.s32 $0xFFFFFF80  }
0x55: {  	[tilespmem:s4], [sflag:$0x2] =	stream.indirect.gather [spmem:s3], $0x80, s1, s19, $0xb8;
	[tilespmem:$0x1DC80] =	vst v63  }
0x56: {  	_ =	swait.ge [sflag:s5], $0x80  }
0x57: {  	[sflag:s5] =	ssyncset.done $0x0  }
0x58: {  	[sflag:s5] =	ssyncadd.s32 $0xFFFFFF80  }
0x59: {  	[tilespmem:s20], [sflag:$0x2] =	stream.indirect.gather [spmem:s3], $0x80, s2, s19, $0xb8;
	[tilespmem:$0x1DC80] =	vst v63  }
0x5a: {  	_ =	swait.ge [sflag:s5], $0x80  }
0x5b: {  	[sflag:s5] =	ssyncset.done $0x0  }
0x5c: {  	s12 =	simm.s32 $0x5000;
	[sflag:s5] =	ssyncadd.s32 $0xFFFFFF80  }
0x5d: {  	[tilespmem:s12], [sflag:$0x2] =	stream.indirect.gather [spmem:s3], $0x80, s7, s19, $0xb8;
	[tilespmem:$0x1DC80] =	vst v63  }
0x5e: {  	_ =	swait.ge [sflag:s28], $0x2800  }
0x5f: {  	[sflag:s28] =	ssyncset.done $0x0  }
0x60: {  	[sflag:s28] =	ssyncadd.s32 $0xFFFFD800  }
0x61: {  	[tilespmem:s1], [sflag:$0x1] =	stream.linear.gather [hbm4b:s22+s4], $0x80, $0x38;
	[tilespmem:$0x1DC80] =	vst v63  }
0x62: {  	s13 =	rddreg [dreg:$0x11]  }
0x63: {  	[hbm4b:s13+s4] =	stream.linear.scatter [tilespmem:s4], [sflag:$0x3], $0x2800, $0x38;
	[tilespmem:$0x1DC80] =	vst v63  }
0x64: {  	_ =	swait.ge [sflag:s5], $0x80  }
0x65: {  	[sflag:s5] =	ssyncset.done $0x0  }
0x66: {  	s23 =	simm.s32 $0x7800;
	[sflag:s5] =	ssyncadd.s32 $0xFFFFFF80  }
0x67: {  	[tilespmem:s23], [sflag:$0x2] =	stream.indirect.gather [spmem:s3], $0x80, s8, s19, $0xb8;
	[tilespmem:$0x1DC80] =	vst v63  }
0x68: {  	_ =	swait.ge [sflag:s28], $0x2800  }
0x69: {  	[sflag:s28] =	ssyncset.done $0x0  }
0x6a: {  	[sflag:s28] =	ssyncadd.s32 $0xFFFFD800  }
0x6b: {  	[tilespmem:s2], [sflag:$0x1] =	stream.linear.gather [hbm4b:s24+s4], $0x80, $0x38;
	[tilespmem:$0x1DC80] =	vst v63  }
0x6c: {  	s30 =	simm.s32 $0xA0;
	s25 =	rddreg [dreg:$0x13]  }
0x6d: {  	[hbm4b:s25+s4] =	stream.linear.scatter [tilespmem:s20], [sflag:$0x3], $0x2800, $0x38;
	[tilespmem:$0x1DC80] =	vst v63  }
0x6e: {  	s23 =	simm.s32 $0x4;
	s6 =	rddreg [dreg:$0x15];
	s25 =	simm.s32 $0x800  }
.LBB2_3:
0x6f: {  	_ =	swait.ge [sflag:s31], $0x2800  }
0x70: {  	s10 =	sand.u32 $0x3, s23;
	s11 =	sand.u32 $0xE00, s25;
	[sflag:s31] =	ssyncset.done $0x0  }
0x71: {  	s13 =	sadd.s32 $0xFFFFFFFE, s23;
	p2 =	sgt.u32 s23, $0xF3;
	[sflag:s31] =	ssyncadd.s32 $0xFFFFD800  }
0x72: {  	s10 =	smul.u32 $0xA000, s10;
	s11 =	sshrl.u32 s11, $0x2;
	_ =	swait.ge [sflag:s5], $0x80  }
0x73: {  	s12 =	sand.u32 @!p2 $0x1F80, s30;
	s11 =	sor.u32 $0xA000, s11;
	[sflag:s5] =	ssyncset.done $0x0  }
0x74: {  	s12 =	sadd.s32 @!p2 s12, s9;
	s10 =	sshrl.u32 s10, $0x2;
	[sflag:s5] =	ssyncadd.s32 $0xFFFFFF80  }
0x75: {  	[tilespmem:s10], [sflag:$0x2] =	stream.indirect.gather [spmem:s3], $0x80, s11, s19, $0xb8;
	[tilespmem:$0x1DC80] =	vst v63  }
0x76: {  	s10 =	sand.u32 $0x3, s13;
	s11 =	sadd.s32 @!p2 $0xFFFFFC00, s25;
	s13 =	sand.u32 @!p2 $0x70, s30  }
0x77: {  	s30 =	sadd.s32 $0x10, s30;
	_ =	swait.ge [sflag:s28], $0x2800;
	s11 =	sand.u32 @!p2 $0xE00, s11  }
0x78: {  	s12 =	sadd.s32 @!p2 s13, s12;
	[sflag:s28] =	ssyncset.done $0x0;
	s11 =	sshrl.u32 @!p2 s11, $0x2  }
0x79: {  	s13 =	simm.s32 @!p2 $0x0;
	[sflag:s28] =	ssyncadd.s32 $0xFFFFD800;
	s11 =	sor.u32 @!p2 $0xA000, s11  }
0x7a: {  	[tilespmem:s11], [sflag:$0x1] =	stream.linear.gather @!p2 [hbm4b:s12+s13], $0x80, $0x38;
	[tilespmem:$0x1DC80] =	vst v63  }
0x7b: {  	s10 =	smul.u32 $0xA000, s10;
	p2 =	seq.s32 s30, $0x1000  }
.Ltmp3:
0x7c: {  	_ = 	snop;
	(pc) =	sbr.rel @!p2 .LBB2_3-.Ltmp3, $4  }
0x7d: {  	_ = 	snop  }
0x7e: {  	s10 =	sshrl.u32 s10, $0x2  }
0x7f: {  	[hbm4b:s6+s4] =	stream.linear.scatter [tilespmem:s10], [sflag:$0x3], $0x2800, $0x38;
	[tilespmem:$0x1DC80] =	vst v63  }
0x80: {  	s23 =	sadd.s32 $0x1, s23;
	s25 =	sadd.s32 $0x200, s25;
	s6 =	sadd.s32 $0x500, s6  }
.Ltmp4:
0x81: {  	(pc) =	sbr.rel .LBB2_8-.Ltmp4, $2  }
0x82: {  	_ =	sdelay $0x2  }
0x83: {  	s6 =	rddreg [dreg:$0x3]  }
.LBB2_5:
0x84: {  	s10 =	rddreg [dreg:$0x8]  }
0x85: {  	[spmem:s25], [sflag:s23] =	dma.local [hbm:s10], $0x2700  }
0x86: {  	_ =	swait.ge [sflag:s0], $0x2700  }
0x87: {  	[sflag:s0] =	ssyncset.done $0x0  }
0x88: {  	s10 =	rddreg [dreg:$0x9];
	[sflag:s0] =	ssyncadd.s32 $0xFFFFD900  }
0x89: {  	[spmem:s6], [sflag:s23] =	dma.local @!p1 [hbm:s10], $0x100  }
0x8a: {  	s6 =	simm.s32 @!p1 $0x4  }
0x8b: {  	_ =	swait.ge @!p1 [sflag:s6], $0x100  }
0x8c: {  	[sflag:s6] =	ssyncset.done @!p1 $0x0  }
0x8d: {  	[sflag:s6] =	ssyncadd.s32 @!p1 $0xFFFFFF00  }
0x8e: {  	[bflag:$0x0] =	sbarrier.arrive $0xFFFF  }
0x8f: {  	[tilespmem:s1], [sflag:$0x1] =	stream.linear.gather [hbm4b:s9+s4], $0x80, $0x38;
	[tilespmem:$0x1DC80] =	vst v63  }
0x90: {  	s10 =	rddreg [dreg:$0xa]  }
0x91: {  	[tilespmem:s2], [sflag:$0x1] =	stream.linear.gather [hbm4b:s10+s4], $0x80, $0x38;
	[tilespmem:$0x1DC80] =	vst v63  }
0x92: {  	s11 =	rddreg [dreg:$0xb]  }
0x93: {  	[tilespmem:s7], [sflag:$0x1] =	stream.linear.gather [hbm4b:s11+s4], $0x80, $0x38;
	[tilespmem:$0x1DC80] =	vst v63  }
0x94: {  	s12 =	rddreg [dreg:$0xc]  }
0x95: {  	[tilespmem:s8], [sflag:$0x1] =	stream.linear.gather [hbm4b:s12+s4], $0x80, $0x38;
	[tilespmem:$0x1DC80] =	vst v63  }
0x96: {  	s23 =	simm.s32 $0xA200;
	s13 =	rddreg [dreg:$0xd]  }
0x97: {  	[tilespmem:s23], [sflag:$0x1] =	stream.linear.gather [hbm4b:s13+s4], $0x80, $0x38;
	[tilespmem:$0x1DC80] =	vst v63  }
0x98: {  	s25 =	simm.s32 $0xA280  }
0x99: {  	[tilespmem:s25], [sflag:$0x1] =	stream.linear.gather [hbm4b:s14+s4], $0x80, $0x38;
	[tilespmem:$0x1DC80] =	vst v63  }
0x9a: {  	s10 =	simm.s32 $0xA300  }
0x9b: {  	[tilespmem:s10], [sflag:$0x1] =	stream.linear.gather [hbm4b:s15+s4], $0x80, $0x38;
	[tilespmem:$0x1DC80] =	vst v63  }
0x9c: {  	s11 =	simm.s32 $0xA380  }
0x9d: {  	[tilespmem:s11], [sflag:$0x1] =	stream.linear.gather [hbm4b:s16+s4], $0x80, $0x38;
	[tilespmem:$0x1DC80] =	vst v63  }
0x9e: {  	_ =	swait.ge [sflag:s5], $0x80  }
0x9f: {  	[sflag:s5] =	ssyncset.done $0x0  }
0xa0: {  	[sflag:s5] =	ssyncadd.s32 $0xFFFFFF80  }
0xa1: {  	[tilespmem:s4], [sflag:$0x2] =	stream.indirect.gather [spmem:s3], $0x80, s1, s19, $0xb8;
	[tilespmem:$0x1DC80] =	vst v63  }
0xa2: {  	_ =	swait.ge [sflag:s5], $0x80  }
0xa3: {  	[sflag:s5] =	ssyncset.done $0x0  }
0xa4: {  	[sflag:s5] =	ssyncadd.s32 $0xFFFFFF80  }
0xa5: {  	[tilespmem:s20], [sflag:$0x2] =	stream.indirect.gather [spmem:s3], $0x80, s2, s19, $0xb8;
	[tilespmem:$0x1DC80] =	vst v63  }
0xa6: {  	_ =	swait.ge [sflag:s5], $0x80  }
0xa7: {  	[sflag:s5] =	ssyncset.done $0x0  }
0xa8: {  	s12 =	simm.s32 $0x5000;
	[sflag:s5] =	ssyncadd.s32 $0xFFFFFF80  }
0xa9: {  	[tilespmem:s12], [sflag:$0x2] =	stream.indirect.gather [spmem:s3], $0x80, s7, s19, $0xb8;
	[tilespmem:$0x1DC80] =	vst v63  }
0xaa: {  	_ =	swait.ge [sflag:s28], $0x2800  }
0xab: {  	[sflag:s28] =	ssyncset.done $0x0  }
0xac: {  	[sflag:s28] =	ssyncadd.s32 $0xFFFFD800  }
0xad: {  	[tilespmem:s1], [sflag:$0x1] =	stream.linear.gather [hbm4b:s22+s4], $0x80, $0x38;
	[tilespmem:$0x1DC80] =	vst v63  }
0xae: {  	s13 =	rddreg [dreg:$0x10]  }
0xaf: {  	[hbm4b:s13+s4] =	stream.linear.scatter [tilespmem:s4], [sflag:$0x3], $0x2800, $0x38;
	[tilespmem:$0x1DC80] =	vst v63  }
0xb0: {  	_ =	swait.ge [sflag:s5], $0x80  }
0xb1: {  	[sflag:s5] =	ssyncset.done $0x0  }
0xb2: {  	s23 =	simm.s32 $0x7800;
	[sflag:s5] =	ssyncadd.s32 $0xFFFFFF80  }
0xb3: {  	[tilespmem:s23], [sflag:$0x2] =	stream.indirect.gather [spmem:s3], $0x80, s8, s19, $0xb8;
	[tilespmem:$0x1DC80] =	vst v63  }
0xb4: {  	_ =	swait.ge [sflag:s28], $0x2800  }
0xb5: {  	[sflag:s28] =	ssyncset.done $0x0  }
0xb6: {  	[sflag:s28] =	ssyncadd.s32 $0xFFFFD800  }
0xb7: {  	[tilespmem:s2], [sflag:$0x1] =	stream.linear.gather [hbm4b:s24+s4], $0x80, $0x38;
	[tilespmem:$0x1DC80] =	vst v63  }
0xb8: {  	s30 =	simm.s32 $0xA0;
	s25 =	rddreg [dreg:$0x12]  }
0xb9: {  	[hbm4b:s25+s4] =	stream.linear.scatter [tilespmem:s20], [sflag:$0x3], $0x2800, $0x38;
	[tilespmem:$0x1DC80] =	vst v63  }
0xba: {  	s23 =	simm.s32 $0x4;
	s6 =	rddreg [dreg:$0x14];
	s25 =	simm.s32 $0x800  }
.LBB2_6:
0xbb: {  	_ =	swait.ge [sflag:s31], $0x2800  }
0xbc: {  	s10 =	sand.u32 $0x3, s23;
	s11 =	sand.u32 $0xE00, s25;
	[sflag:s31] =	ssyncset.done $0x0  }
0xbd: {  	s13 =	sadd.s32 $0xFFFFFFFE, s23;
	p2 =	sgt.u32 s23, $0xF3;
	[sflag:s31] =	ssyncadd.s32 $0xFFFFD800  }
0xbe: {  	s10 =	smul.u32 $0xA000, s10;
	s11 =	sshrl.u32 s11, $0x2;
	_ =	swait.ge [sflag:s5], $0x80  }
0xbf: {  	s12 =	sand.u32 @!p2 $0x1F80, s30;
	s11 =	sor.u32 $0xA000, s11;
	[sflag:s5] =	ssyncset.done $0x0  }
0xc0: {  	s12 =	sadd.s32 @!p2 s12, s9;
	s10 =	sshrl.u32 s10, $0x2;
	[sflag:s5] =	ssyncadd.s32 $0xFFFFFF80  }
0xc1: {  	[tilespmem:s10], [sflag:$0x2] =	stream.indirect.gather [spmem:s3], $0x80, s11, s19, $0xb8;
	[tilespmem:$0x1DC80] =	vst v63  }
0xc2: {  	s10 =	sand.u32 $0x3, s13;
	s11 =	sadd.s32 @!p2 $0xFFFFFC00, s25;
	s13 =	sand.u32 @!p2 $0x70, s30  }
0xc3: {  	s30 =	sadd.s32 $0x10, s30;
	_ =	swait.ge [sflag:s28], $0x2800;
	s11 =	sand.u32 @!p2 $0xE00, s11  }
0xc4: {  	s12 =	sadd.s32 @!p2 s13, s12;
	[sflag:s28] =	ssyncset.done $0x0;
	s11 =	sshrl.u32 @!p2 s11, $0x2  }
0xc5: {  	s13 =	simm.s32 @!p2 $0x0;
	[sflag:s28] =	ssyncadd.s32 $0xFFFFD800;
	s11 =	sor.u32 @!p2 $0xA000, s11  }
0xc6: {  	[tilespmem:s11], [sflag:$0x1] =	stream.linear.gather @!p2 [hbm4b:s12+s13], $0x80, $0x38;
	[tilespmem:$0x1DC80] =	vst v63  }
0xc7: {  	s10 =	smul.u32 $0xA000, s10;
	p2 =	sne.s32 s30, $0x1000  }
.Ltmp5:
0xc8: {  	_ = 	snop;
	(pc) =	sbr.rel @p2 .LBB2_6-.Ltmp5, $4  }
0xc9: {  	_ = 	snop  }
0xca: {  	s10 =	sshrl.u32 s10, $0x2  }
0xcb: {  	[hbm4b:s6+s4] =	stream.linear.scatter [tilespmem:s10], [sflag:$0x3], $0x2800, $0x38;
	[tilespmem:$0x1DC80] =	vst v63  }
0xcc: {  	s23 =	sadd.s32 $0x1, s23;
	s25 =	sadd.s32 $0x200, s25;
	s6 =	sadd.s32 $0x500, s6  }
.Ltmp6:
0xcd: {  	_ = 	snop;
	(pc) =	sbr.rel .LBB2_7-.Ltmp6, $1  }
0xce: {  	_ =	sdelay $0x3  }
.LBB2_9:
0xcf: {  	_ =	sfence.sel $0x180000  }
0xd0: {  	[bflag:$0x0] =	sbarrier.arrive $0xFFFF  }
0xd1: {  	_ =	strace $0x90000047  }
0xd2: {  	[bflag:$0x2] =	sbarrier.arrive $0xFFFF  }
0xd3: {  	s0 =	rddreg [dreg:$0x6]  }
0xd4: {  	s0 =	sadd.s32 @!p1 $0x100000, s0  }
0xd5: {  	[sflag:s0] =	ssyncadd.tile.s32 @!p1 $0x1;
	_ =	shalt  }
.Lfunc_end2:
_tile_overlayer_lowered:
.L_overlay_start_2:
0xd6: {  	(tag) =	ssettag $0x2  }
0xd7: {  	s0 =	rddreg [dreg:$0x0];
	s2 =	stileid.u32  }
0xd8: {  	s1 =	rddreg [dreg:$0x1];
	p0 =	sne.s32 s2, $0x0  }
0xd9: {  	s3 =	rddreg [dreg:$0x2];
	[bflag:$0x3] =	sbarrier.arrive $0xFFFF;
	s2 =	simm.s32 @!p0 $0x1C04  }
0xda: {  	[timem:s3], [sflag:s2] =	dma.local @!p0 [hbm:s0], s1  }
0xdb: {  	s0 =	simm.s32 @!p0 $0x4  }
0xdc: {  	_ =	swait.ge @!p0 [sflag:s0], s1  }
0xdd: {  	s1 =	ssub.s32 @!p0 $0x0, s1;
	[sflag:s0] =	ssyncset.done @!p0 $0x0  }
0xde: {  	[sflag:s0] =	ssyncadd.s32 @!p0 s1  }
0xdf: {  	[bflag:$0x3] =	sbarrier.arrive $0xFFFF  }
0xe0: {  	_ =	shalt  }

</sc_bundles>
